<compile_context>
chip_gen: v7x
topology: tpu7x:2x2x1
jax: 0.10.2.dev20260603
libtpu: 0.0.44.dev20260713+nightly
codegen_flags: <defaults>
</compile_context>

<pallas_src>
import functools

import jax
import jax.numpy as jnp
from jax import lax
from jax.experimental import pallas as pl
from jax.experimental.pallas import tpu as pltpu
from jax.experimental.pallas import tpu_sc as plsc

NC = 2
NS = 16
NW = NC * NS
R = 2
NB = 4
SPLITS = ((0, 128), (128, 72))


@functools.cache
def _make_gather(B: int, L: int, V: int, D: int):
    assert B % (NW * R) == 0
    assert sum(g for _, g in SPLITS) == L
    b_per_w = B // NW
    n_s = b_per_w // R
    assert n_s % NB == 0 and n_s > 2 * NB
    mesh = plsc.VectorSubcoreMesh(core_axis_name="c", subcore_axis_name="s")

    @functools.partial(
        pl.kernel,
        mesh=mesh,
        out_type=jax.ShapeDtypeStruct((B, L, 2 * D), jnp.float32),
        compiler_params=pltpu.CompilerParams(use_tc_tiling_on_sc=False),
        scratch_types=[
            pltpu.VMEM((b_per_w, L), jnp.int32),
            pltpu.VMEM((NB, R, L, D), jnp.float32),
        ] + [pltpu.SemaphoreType.DMA] * (2 * NB),
    )
    def gather_kernel(table_hbm, seqs_hbm, out_hbm, idx_v, slab_v, *sems):
        wid = lax.axis_index("s") * NC + lax.axis_index("c")
        b0 = wid * b_per_w

        pltpu.sync_copy(seqs_hbm.at[pl.ds(b0, b_per_w)], idx_v)

        gsems = sems[:NB]
        osems = sems[NB:]

        def fill(s, p):
            for r in range(R):
                for o, g in SPLITS:
                    pltpu.async_copy(
                        table_hbm.at[idx_v.at[s * R + r, pl.ds(o, g)]],
                        slab_v.at[p, r, pl.ds(o, g)],
                        gsems[p],
                    )

        def drain(s, p):
            for r in range(R):
                for o, g in SPLITS:
                    pltpu.make_async_copy(
                        table_hbm.at[idx_v.at[s * R + r, pl.ds(o, g)]],
                        slab_v.at[p, r, pl.ds(o, g)],
                        gsems[p],
                    ).wait()

        def out_slice(s):
            return out_hbm.at[pl.ds(b0 + s * R, R), :, pl.ds(0, D)]

        for p in range(NB - 1):
            fill(p, p)

        def body(t, _):
            for p0 in range(NB):
                s = t * NB + p0
                q = (p0 + NB - 1) % NB

                @pl.when(s + NB - 1 < n_s)
                def _():
                    @pl.when(s >= 1)
                    def _():
                        pltpu.make_async_copy(
                            slab_v.at[q], out_slice(s - 1), osems[q]
                        ).wait()
                    fill(s + NB - 1, q)

                drain(s, p0)
                pltpu.async_copy(slab_v.at[p0], out_slice(s), osems[p0])
            return 0

        lax.fori_loop(0, n_s // NB, body, 0)

        for k in range(NB):
            s = n_s - NB + k
            pltpu.make_async_copy(
                slab_v.at[s % NB], out_slice(s), osems[s % NB]).wait()

    return gather_kernel


def kernel(seqs, att_mask, word_embedding):
    B, L = seqs.shape
    V, D = word_embedding.shape
    padded = _make_gather(B, L, V, D)(word_embedding, seqs.astype(jnp.int32))
    return padded[:, :, :D]

# --- scband reference (transcript-rebuilt; emitter-appended) ---
"""Pipeline reference for scband-base-encoder-26156350832943 (READ-ONLY COPY).

The authoritative reference and input builder live on the scoring server;
editing this copy changes nothing except your own understanding.
"""

import jax, jax.numpy as jnp
import numpy as np

NUM_TOKEN = 100002  # vocab 100000 + [UNK] + [PAD]
EMB_SIZE = 64
B, L = 4096, 200


def setup_inputs(seed: int = 0) -> dict:
    key = jax.random.key(seed)
    k1, k2 = jax.random.split(key)
    seqs = jax.random.randint(k1, (B, L), 0, 100000, dtype=jnp.int64 if jax.config.jax_enable_x64 else jnp.int32)
    att_mask = jnp.ones((B, L), dtype=jnp.int32)
    # learned parameter: embedding table (nn.Embedding default init ~ N(0,1))
    word_embedding = jax.random.normal(k2, (NUM_TOKEN, EMB_SIZE), dtype=jnp.float32)
    return {"seqs": seqs, "att_mask": att_mask, "word_embedding": word_embedding}


def reference(seqs, att_mask, word_embedding):
    # BaseEncoder.forward: inputs_embed = self.word_embedding(seqs); return inputs_embed
    # att_mask is accepted but unused by the forward, matching the original module.
    inputs_embed = jnp.take(word_embedding, seqs, axis=0)
    return inputs_embed

if __name__ == "__main__":
    import jax
    _d = setup_inputs()
    print(jax.jit(kernel)(*tuple(_d.values())))

</pallas_src>

<mosaic_0001>
#map = affine_map<(d0, d1) -> (0, 0)>
#map1 = affine_map<(d0, d1) -> (0, 0, 0)>
module attributes {stable_mosaic.version = 14 : i64} {
  func.func @gather_kernel(%arg0: i32, %arg1: i32, %arg2: memref<100002x64xf32, #tpu.memory_space<hbm>>, %arg3: memref<4096x200xi32, #tpu.memory_space<hbm>>, %arg4: memref<4096x200x128xf32, #tpu.memory_space<hbm>>, %arg5: memref<128x200xi32, #tpu.memory_space<vmem>>, %arg6: memref<4x2x200x64xf32, #tpu.memory_space<vmem>>, %arg7: memref<!tpu.dma_semaphore, #tpu.memory_space<semaphore_mem>>, %arg8: memref<!tpu.dma_semaphore, #tpu.memory_space<semaphore_mem>>, %arg9: memref<!tpu.dma_semaphore, #tpu.memory_space<semaphore_mem>>, %arg10: memref<!tpu.dma_semaphore, #tpu.memory_space<semaphore_mem>>, %arg11: memref<!tpu.dma_semaphore, #tpu.memory_space<semaphore_mem>>, %arg12: memref<!tpu.dma_semaphore, #tpu.memory_space<semaphore_mem>>, %arg13: memref<!tpu.dma_semaphore, #tpu.memory_space<semaphore_mem>>, %arg14: memref<!tpu.dma_semaphore, #tpu.memory_space<semaphore_mem>>) attributes {dimension_semantics = [#tpu.dimension_semantics<core_parallel>, #tpu.dimension_semantics<subcore_parallel>], iteration_bounds = array<i64: 2, 16>, scalar_prefetch = 0 : i64, scratch_operands = 10 : i64, tpu.core_type = #tpu.core_type<sc_vector_subcore>, window_params = [{transform_indices = #map}, {transform_indices = #map}, {transform_indices = #map1}]} {
    %mul3A = arith.constant 2 : i32
    %mul3A_0 = arith.muli %arg1, %mul3A : i32
    %add3A = arith.addi %mul3A_0, %arg0 : i32
    %mul3A_1 = arith.constant 128 : i32
    %mul3A_2 = arith.muli %add3A, %mul3A_1 : i32
    "tpu.region"() ({
      %run_scoped3A = tpu.sem_alloc : memref<!tpu.dma_semaphore, #tpu.memory_space<semaphore_mem>>
      %dma_start3A_239 = arith.constant 0 : i32
      %dma_start3A_240 = tpu.memref_slice %arg3[%mul3A_2, %dma_start3A_239] : memref<4096x200xi32, #tpu.memory_space<hbm>> -> memref<128x200xi32, #tpu.memory_space<hbm>>
      %dma_start3A_241 = arith.constant 0 : i32
      %dma_start3A_242 = tpu.memref_slice %arg3[%mul3A_2, %dma_start3A_241] : memref<4096x200xi32, #tpu.memory_space<hbm>> -> memref<128x200xi32, #tpu.memory_space<hbm>>
      tpu.enqueue_dma source(%dma_start3A_242 : memref<128x200xi32, #tpu.memory_space<hbm>>) target(%arg5 : memref<128x200xi32, #tpu.memory_space<vmem>>) target_semaphore(%run_scoped3A : memref<!tpu.dma_semaphore, #tpu.memory_space<semaphore_mem>>)
      %dma_wait3A_243 = arith.constant 0 : i32
      %dma_wait3A_244 = tpu.memref_slice %arg3[%mul3A_2, %dma_wait3A_243] : memref<4096x200xi32, #tpu.memory_space<hbm>> -> memref<128x200xi32, #tpu.memory_space<hbm>>
      %dma_wait3A_245 = arith.constant 0 : i32
      %dma_wait3A_246 = tpu.memref_slice %arg3[%mul3A_2, %dma_wait3A_245] : memref<4096x200xi32, #tpu.memory_space<hbm>> -> memref<128x200xi32, #tpu.memory_space<hbm>>
      tpu.wait_dma2 semaphore(%run_scoped3A : memref<!tpu.dma_semaphore, #tpu.memory_space<semaphore_mem>>) src(%dma_wait3A_246 : memref<128x200xi32, #tpu.memory_space<hbm>>) dst(%arg5 : memref<128x200xi32, #tpu.memory_space<vmem>>)
      tpu.yield
    }) : () -> ()
    %dma_start3A = arith.constant 0 : i32
    %dma_start3A_3 = arith.constant 0 : i32
    %dma_start3A_4 = arith.constant 0 : i32
    %dma_start3A_5 = arith.constant 0 : i32
    %dma_start3A_6 = arith.constant 0 : i32
    %dma_start3A_7 = tpu.memref_slice %arg6[%dma_start3A_3, %dma_start3A_4, %dma_start3A_5, %dma_start3A_6] : memref<4x2x200x64xf32, #tpu.memory_space<vmem>> -> memref<1x1x128x64xf32, #tpu.memory_space<vmem>>
    %dma_start3A_8 = tpu.memref_squeeze %dma_start3A_7 : memref<1x1x128x64xf32, #tpu.memory_space<vmem>> -> memref<128x64xf32, #tpu.memory_space<vmem>>
    %dma_start3A_9 = arith.constant 0 : i32
    %dma_start3A_10 = tpu.memref_slice %arg5[%dma_start3A, %dma_start3A_9] : memref<128x200xi32, #tpu.memory_space<vmem>> -> memref<1x128xi32, #tpu.memory_space<vmem>>
    %dma_start3A_11 = tpu.memref_squeeze %dma_start3A_10 : memref<1x128xi32, #tpu.memory_space<vmem>> -> memref<128xi32, #tpu.memory_space<vmem>>
    %dma_start3A_12 = arith.constant 0 : i32
    %dma_start3A_13 = arith.constant 0 : i32
    %dma_start3A_14 = tpu.memref_slice %arg2[%dma_start3A_12, %dma_start3A_13] : memref<100002x64xf32, #tpu.memory_space<hbm>> -> memref<100002x64xf32, #tpu.memory_space<hbm>>
    tpu.enqueue_indirect_dma source(%dma_start3A_14 : memref<100002x64xf32, #tpu.memory_space<hbm>>) target(%dma_start3A_8 : memref<128x64xf32, #tpu.memory_space<vmem>>) offsets(%dma_start3A_11 : memref<128xi32, #tpu.memory_space<vmem>>) semaphore(%arg7 : memref<!tpu.dma_semaphore, #tpu.memory_space<semaphore_mem>>)
    %dma_start3A_15 = arith.constant 0 : i32
    %dma_start3A_16 = arith.constant 0 : i32
    %dma_start3A_17 = arith.constant 0 : i32
    %dma_start3A_18 = arith.constant 128 : i32
    %dma_start3A_19 = arith.constant 0 : i32
    %dma_start3A_20 = tpu.memref_slice %arg6[%dma_start3A_16, %dma_start3A_17, %dma_start3A_18, %dma_start3A_19] : memref<4x2x200x64xf32, #tpu.memory_space<vmem>> -> memref<1x1x72x64xf32, #tpu.memory_space<vmem>>
    %dma_start3A_21 = tpu.memref_squeeze %dma_start3A_20 : memref<1x1x72x64xf32, #tpu.memory_space<vmem>> -> memref<72x64xf32, #tpu.memory_space<vmem>>
    %dma_start3A_22 = arith.constant 128 : i32
    %dma_start3A_23 = tpu.memref_slice %arg5[%dma_start3A_15, %dma_start3A_22] : memref<128x200xi32, #tpu.memory_space<vmem>> -> memref<1x72xi32, #tpu.memory_space<vmem>>
    %dma_start3A_24 = tpu.memref_squeeze %dma_start3A_23 : memref<1x72xi32, #tpu.memory_space<vmem>> -> memref<72xi32, #tpu.memory_space<vmem>>
    %dma_start3A_25 = arith.constant 0 : i32
    %dma_start3A_26 = arith.constant 0 : i32
    %dma_start3A_27 = tpu.memref_slice %arg2[%dma_start3A_25, %dma_start3A_26] : memref<100002x64xf32, #tpu.memory_space<hbm>> -> memref<100002x64xf32, #tpu.memory_space<hbm>>
    tpu.enqueue_indirect_dma source(%dma_start3A_27 : memref<100002x64xf32, #tpu.memory_space<hbm>>) target(%dma_start3A_21 : memref<72x64xf32, #tpu.memory_space<vmem>>) offsets(%dma_start3A_24 : memref<72xi32, #tpu.memory_space<vmem>>) semaphore(%arg7 : memref<!tpu.dma_semaphore, #tpu.memory_space<semaphore_mem>>)
    %dma_start3A_28 = arith.constant 1 : i32
    %dma_start3A_29 = arith.constant 0 : i32
    %dma_start3A_30 = arith.constant 1 : i32
    %dma_start3A_31 = arith.constant 0 : i32
    %dma_start3A_32 = arith.constant 0 : i32
    %dma_start3A_33 = tpu.memref_slice %arg6[%dma_start3A_29, %dma_start3A_30, %dma_start3A_31, %dma_start3A_32] : memref<4x2x200x64xf32, #tpu.memory_space<vmem>> -> memref<1x1x128x64xf32, #tpu.memory_space<vmem>>
    %dma_start3A_34 = tpu.memref_squeeze %dma_start3A_33 : memref<1x1x128x64xf32, #tpu.memory_space<vmem>> -> memref<128x64xf32, #tpu.memory_space<vmem>>
    %dma_start3A_35 = arith.constant 0 : i32
    %dma_start3A_36 = tpu.memref_slice %arg5[%dma_start3A_28, %dma_start3A_35] : memref<128x200xi32, #tpu.memory_space<vmem>> -> memref<1x128xi32, #tpu.memory_space<vmem>>
    %dma_start3A_37 = tpu.memref_squeeze %dma_start3A_36 : memref<1x128xi32, #tpu.memory_space<vmem>> -> memref<128xi32, #tpu.memory_space<vmem>>
    %dma_start3A_38 = arith.constant 0 : i32
    %dma_start3A_39 = arith.constant 0 : i32
    %dma_start3A_40 = tpu.memref_slice %arg2[%dma_start3A_38, %dma_start3A_39] : memref<100002x64xf32, #tpu.memory_space<hbm>> -> memref<100002x64xf32, #tpu.memory_space<hbm>>
    tpu.enqueue_indirect_dma source(%dma_start3A_40 : memref<100002x64xf32, #tpu.memory_space<hbm>>) target(%dma_start3A_34 : memref<128x64xf32, #tpu.memory_space<vmem>>) offsets(%dma_start3A_37 : memref<128xi32, #tpu.memory_space<vmem>>) semaphore(%arg7 : memref<!tpu.dma_semaphore, #tpu.memory_space<semaphore_mem>>)
    %dma_start3A_41 = arith.constant 1 : i32
    %dma_start3A_42 = arith.constant 0 : i32
    %dma_start3A_43 = arith.constant 1 : i32
    %dma_start3A_44 = arith.constant 128 : i32
    %dma_start3A_45 = arith.constant 0 : i32
    %dma_start3A_46 = tpu.memref_slice %arg6[%dma_start3A_42, %dma_start3A_43, %dma_start3A_44, %dma_start3A_45] : memref<4x2x200x64xf32, #tpu.memory_space<vmem>> -> memref<1x1x72x64xf32, #tpu.memory_space<vmem>>
    %dma_start3A_47 = tpu.memref_squeeze %dma_start3A_46 : memref<1x1x72x64xf32, #tpu.memory_space<vmem>> -> memref<72x64xf32, #tpu.memory_space<vmem>>
    %dma_start3A_48 = arith.constant 128 : i32
    %dma_start3A_49 = tpu.memref_slice %arg5[%dma_start3A_41, %dma_start3A_48] : memref<128x200xi32, #tpu.memory_space<vmem>> -> memref<1x72xi32, #tpu.memory_space<vmem>>
    %dma_start3A_50 = tpu.memref_squeeze %dma_start3A_49 : memref<1x72xi32, #tpu.memory_space<vmem>> -> memref<72xi32, #tpu.memory_space<vmem>>
    %dma_start3A_51 = arith.constant 0 : i32
    %dma_start3A_52 = arith.constant 0 : i32
    %dma_start3A_53 = tpu.memref_slice %arg2[%dma_start3A_51, %dma_start3A_52] : memref<100002x64xf32, #tpu.memory_space<hbm>> -> memref<100002x64xf32, #tpu.memory_space<hbm>>
    tpu.enqueue_indirect_dma source(%dma_start3A_53 : memref<100002x64xf32, #tpu.memory_space<hbm>>) target(%dma_start3A_47 : memref<72x64xf32, #tpu.memory_space<vmem>>) offsets(%dma_start3A_50 : memref<72xi32, #tpu.memory_space<vmem>>) semaphore(%arg7 : memref<!tpu.dma_semaphore, #tpu.memory_space<semaphore_mem>>)
    %dma_start3A_54 = arith.constant 2 : i32
    %dma_start3A_55 = arith.constant 1 : i32
    %dma_start3A_56 = arith.constant 0 : i32
    %dma_start3A_57 = arith.constant 0 : i32
    %dma_start3A_58 = arith.constant 0 : i32
    %dma_start3A_59 = tpu.memref_slice %arg6[%dma_start3A_55, %dma_start3A_56, %dma_start3A_57, %dma_start3A_58] : memref<4x2x200x64xf32, #tpu.memory_space<vmem>> -> memref<1x1x128x64xf32, #tpu.memory_space<vmem>>
    %dma_start3A_60 = tpu.memref_squeeze %dma_start3A_59 : memref<1x1x128x64xf32, #tpu.memory_space<vmem>> -> memref<128x64xf32, #tpu.memory_space<vmem>>
    %dma_start3A_61 = arith.constant 0 : i32
    %dma_start3A_62 = tpu.memref_slice %arg5[%dma_start3A_54, %dma_start3A_61] : memref<128x200xi32, #tpu.memory_space<vmem>> -> memref<1x128xi32, #tpu.memory_space<vmem>>
    %dma_start3A_63 = tpu.memref_squeeze %dma_start3A_62 : memref<1x128xi32, #tpu.memory_space<vmem>> -> memref<128xi32, #tpu.memory_space<vmem>>
    %dma_start3A_64 = arith.constant 0 : i32
    %dma_start3A_65 = arith.constant 0 : i32
    %dma_start3A_66 = tpu.memref_slice %arg2[%dma_start3A_64, %dma_start3A_65] : memref<100002x64xf32, #tpu.memory_space<hbm>> -> memref<100002x64xf32, #tpu.memory_space<hbm>>
    tpu.enqueue_indirect_dma source(%dma_start3A_66 : memref<100002x64xf32, #tpu.memory_space<hbm>>) target(%dma_start3A_60 : memref<128x64xf32, #tpu.memory_space<vmem>>) offsets(%dma_start3A_63 : memref<128xi32, #tpu.memory_space<vmem>>) semaphore(%arg8 : memref<!tpu.dma_semaphore, #tpu.memory_space<semaphore_mem>>)
    %dma_start3A_67 = arith.constant 2 : i32
    %dma_start3A_68 = arith.constant 1 : i32
    %dma_start3A_69 = arith.constant 0 : i32
    %dma_start3A_70 = arith.constant 128 : i32
    %dma_start3A_71 = arith.constant 0 : i32
    %dma_start3A_72 = tpu.memref_slice %arg6[%dma_start3A_68, %dma_start3A_69, %dma_start3A_70, %dma_start3A_71] : memref<4x2x200x64xf32, #tpu.memory_space<vmem>> -> memref<1x1x72x64xf32, #tpu.memory_space<vmem>>
    %dma_start3A_73 = tpu.memref_squeeze %dma_start3A_72 : memref<1x1x72x64xf32, #tpu.memory_space<vmem>> -> memref<72x64xf32, #tpu.memory_space<vmem>>
    %dma_start3A_74 = arith.constant 128 : i32
    %dma_start3A_75 = tpu.memref_slice %arg5[%dma_start3A_67, %dma_start3A_74] : memref<128x200xi32, #tpu.memory_space<vmem>> -> memref<1x72xi32, #tpu.memory_space<vmem>>
    %dma_start3A_76 = tpu.memref_squeeze %dma_start3A_75 : memref<1x72xi32, #tpu.memory_space<vmem>> -> memref<72xi32, #tpu.memory_space<vmem>>
    %dma_start3A_77 = arith.constant 0 : i32
    %dma_start3A_78 = arith.constant 0 : i32
    %dma_start3A_79 = tpu.memref_slice %arg2[%dma_start3A_77, %dma_start3A_78] : memref<100002x64xf32, #tpu.memory_space<hbm>> -> memref<100002x64xf32, #tpu.memory_space<hbm>>
    tpu.enqueue_indirect_dma source(%dma_start3A_79 : memref<100002x64xf32, #tpu.memory_space<hbm>>) target(%dma_start3A_73 : memref<72x64xf32, #tpu.memory_space<vmem>>) offsets(%dma_start3A_76 : memref<72xi32, #tpu.memory_space<vmem>>) semaphore(%arg8 : memref<!tpu.dma_semaphore, #tpu.memory_space<semaphore_mem>>)
    %dma_start3A_80 = arith.constant 3 : i32
    %dma_start3A_81 = arith.constant 1 : i32
    %dma_start3A_82 = arith.constant 1 : i32
    %dma_start3A_83 = arith.constant 0 : i32
    %dma_start3A_84 = arith.constant 0 : i32
    %dma_start3A_85 = tpu.memref_slice %arg6[%dma_start3A_81, %dma_start3A_82, %dma_start3A_83, %dma_start3A_84] : memref<4x2x200x64xf32, #tpu.memory_space<vmem>> -> memref<1x1x128x64xf32, #tpu.memory_space<vmem>>
    %dma_start3A_86 = tpu.memref_squeeze %dma_start3A_85 : memref<1x1x128x64xf32, #tpu.memory_space<vmem>> -> memref<128x64xf32, #tpu.memory_space<vmem>>
    %dma_start3A_87 = arith.constant 0 : i32
    %dma_start3A_88 = tpu.memref_slice %arg5[%dma_start3A_80, %dma_start3A_87] : memref<128x200xi32, #tpu.memory_space<vmem>> -> memref<1x128xi32, #tpu.memory_space<vmem>>
    %dma_start3A_89 = tpu.memref_squeeze %dma_start3A_88 : memref<1x128xi32, #tpu.memory_space<vmem>> -> memref<128xi32, #tpu.memory_space<vmem>>
    %dma_start3A_90 = arith.constant 0 : i32
    %dma_start3A_91 = arith.constant 0 : i32
    %dma_start3A_92 = tpu.memref_slice %arg2[%dma_start3A_90, %dma_start3A_91] : memref<100002x64xf32, #tpu.memory_space<hbm>> -> memref<100002x64xf32, #tpu.memory_space<hbm>>
    tpu.enqueue_indirect_dma source(%dma_start3A_92 : memref<100002x64xf32, #tpu.memory_space<hbm>>) target(%dma_start3A_86 : memref<128x64xf32, #tpu.memory_space<vmem>>) offsets(%dma_start3A_89 : memref<128xi32, #tpu.memory_space<vmem>>) semaphore(%arg8 : memref<!tpu.dma_semaphore, #tpu.memory_space<semaphore_mem>>)
    %dma_start3A_93 = arith.constant 3 : i32
    %dma_start3A_94 = arith.constant 1 : i32
    %dma_start3A_95 = arith.constant 1 : i32
    %dma_start3A_96 = arith.constant 128 : i32
    %dma_start3A_97 = arith.constant 0 : i32
    %dma_start3A_98 = tpu.memref_slice %arg6[%dma_start3A_94, %dma_start3A_95, %dma_start3A_96, %dma_start3A_97] : memref<4x2x200x64xf32, #tpu.memory_space<vmem>> -> memref<1x1x72x64xf32, #tpu.memory_space<vmem>>
    %dma_start3A_99 = tpu.memref_squeeze %dma_start3A_98 : memref<1x1x72x64xf32, #tpu.memory_space<vmem>> -> memref<72x64xf32, #tpu.memory_space<vmem>>
    %dma_start3A_100 = arith.constant 128 : i32
    %dma_start3A_101 = tpu.memref_slice %arg5[%dma_start3A_93, %dma_start3A_100] : memref<128x200xi32, #tpu.memory_space<vmem>> -> memref<1x72xi32, #tpu.memory_space<vmem>>
    %dma_start3A_102 = tpu.memref_squeeze %dma_start3A_101 : memref<1x72xi32, #tpu.memory_space<vmem>> -> memref<72xi32, #tpu.memory_space<vmem>>
    %dma_start3A_103 = arith.constant 0 : i32
    %dma_start3A_104 = arith.constant 0 : i32
    %dma_start3A_105 = tpu.memref_slice %arg2[%dma_start3A_103, %dma_start3A_104] : memref<100002x64xf32, #tpu.memory_space<hbm>> -> memref<100002x64xf32, #tpu.memory_space<hbm>>
    tpu.enqueue_indirect_dma source(%dma_start3A_105 : memref<100002x64xf32, #tpu.memory_space<hbm>>) target(%dma_start3A_99 : memref<72x64xf32, #tpu.memory_space<vmem>>) offsets(%dma_start3A_102 : memref<72xi32, #tpu.memory_space<vmem>>) semaphore(%arg8 : memref<!tpu.dma_semaphore, #tpu.memory_space<semaphore_mem>>)
    %dma_start3A_106 = arith.constant 4 : i32
    %dma_start3A_107 = arith.constant 2 : i32
    %dma_start3A_108 = arith.constant 0 : i32
    %dma_start3A_109 = arith.constant 0 : i32
    %dma_start3A_110 = arith.constant 0 : i32
    %dma_start3A_111 = tpu.memref_slice %arg6[%dma_start3A_107, %dma_start3A_108, %dma_start3A_109, %dma_start3A_110] : memref<4x2x200x64xf32, #tpu.memory_space<vmem>> -> memref<1x1x128x64xf32, #tpu.memory_space<vmem>>
    %dma_start3A_112 = tpu.memref_squeeze %dma_start3A_111 : memref<1x1x128x64xf32, #tpu.memory_space<vmem>> -> memref<128x64xf32, #tpu.memory_space<vmem>>
    %dma_start3A_113 = arith.constant 0 : i32
    %dma_start3A_114 = tpu.memref_slice %arg5[%dma_start3A_106, %dma_start3A_113] : memref<128x200xi32, #tpu.memory_space<vmem>> -> memref<1x128xi32, #tpu.memory_space<vmem>>
    %dma_start3A_115 = tpu.memref_squeeze %dma_start3A_114 : memref<1x128xi32, #tpu.memory_space<vmem>> -> memref<128xi32, #tpu.memory_space<vmem>>
    %dma_start3A_116 = arith.constant 0 : i32
    %dma_start3A_117 = arith.constant 0 : i32
    %dma_start3A_118 = tpu.memref_slice %arg2[%dma_start3A_116, %dma_start3A_117] : memref<100002x64xf32, #tpu.memory_space<hbm>> -> memref<100002x64xf32, #tpu.memory_space<hbm>>
    tpu.enqueue_indirect_dma source(%dma_start3A_118 : memref<100002x64xf32, #tpu.memory_space<hbm>>) target(%dma_start3A_112 : memref<128x64xf32, #tpu.memory_space<vmem>>) offsets(%dma_start3A_115 : memref<128xi32, #tpu.memory_space<vmem>>) semaphore(%arg9 : memref<!tpu.dma_semaphore, #tpu.memory_space<semaphore_mem>>)
    %dma_start3A_119 = arith.constant 4 : i32
    %dma_start3A_120 = arith.constant 2 : i32
    %dma_start3A_121 = arith.constant 0 : i32
    %dma_start3A_122 = arith.constant 128 : i32
    %dma_start3A_123 = arith.constant 0 : i32
    %dma_start3A_124 = tpu.memref_slice %arg6[%dma_start3A_120, %dma_start3A_121, %dma_start3A_122, %dma_start3A_123] : memref<4x2x200x64xf32, #tpu.memory_space<vmem>> -> memref<1x1x72x64xf32, #tpu.memory_space<vmem>>
    %dma_start3A_125 = tpu.memref_squeeze %dma_start3A_124 : memref<1x1x72x64xf32, #tpu.memory_space<vmem>> -> memref<72x64xf32, #tpu.memory_space<vmem>>
    %dma_start3A_126 = arith.constant 128 : i32
    %dma_start3A_127 = tpu.memref_slice %arg5[%dma_start3A_119, %dma_start3A_126] : memref<128x200xi32, #tpu.memory_space<vmem>> -> memref<1x72xi32, #tpu.memory_space<vmem>>
    %dma_start3A_128 = tpu.memref_squeeze %dma_start3A_127 : memref<1x72xi32, #tpu.memory_space<vmem>> -> memref<72xi32, #tpu.memory_space<vmem>>
    %dma_start3A_129 = arith.constant 0 : i32
    %dma_start3A_130 = arith.constant 0 : i32
    %dma_start3A_131 = tpu.memref_slice %arg2[%dma_start3A_129, %dma_start3A_130] : memref<100002x64xf32, #tpu.memory_space<hbm>> -> memref<100002x64xf32, #tpu.memory_space<hbm>>
    tpu.enqueue_indirect_dma source(%dma_start3A_131 : memref<100002x64xf32, #tpu.memory_space<hbm>>) target(%dma_start3A_125 : memref<72x64xf32, #tpu.memory_space<vmem>>) offsets(%dma_start3A_128 : memref<72xi32, #tpu.memory_space<vmem>>) semaphore(%arg9 : memref<!tpu.dma_semaphore, #tpu.memory_space<semaphore_mem>>)
    %dma_start3A_132 = arith.constant 5 : i32
    %dma_start3A_133 = arith.constant 2 : i32
    %dma_start3A_134 = arith.constant 1 : i32
    %dma_start3A_135 = arith.constant 0 : i32
    %dma_start3A_136 = arith.constant 0 : i32
    %dma_start3A_137 = tpu.memref_slice %arg6[%dma_start3A_133, %dma_start3A_134, %dma_start3A_135, %dma_start3A_136] : memref<4x2x200x64xf32, #tpu.memory_space<vmem>> -> memref<1x1x128x64xf32, #tpu.memory_space<vmem>>
    %dma_start3A_138 = tpu.memref_squeeze %dma_start3A_137 : memref<1x1x128x64xf32, #tpu.memory_space<vmem>> -> memref<128x64xf32, #tpu.memory_space<vmem>>
    %dma_start3A_139 = arith.constant 0 : i32
    %dma_start3A_140 = tpu.memref_slice %arg5[%dma_start3A_132, %dma_start3A_139] : memref<128x200xi32, #tpu.memory_space<vmem>> -> memref<1x128xi32, #tpu.memory_space<vmem>>
    %dma_start3A_141 = tpu.memref_squeeze %dma_start3A_140 : memref<1x128xi32, #tpu.memory_space<vmem>> -> memref<128xi32, #tpu.memory_space<vmem>>
    %dma_start3A_142 = arith.constant 0 : i32
    %dma_start3A_143 = arith.constant 0 : i32
    %dma_start3A_144 = tpu.memref_slice %arg2[%dma_start3A_142, %dma_start3A_143] : memref<100002x64xf32, #tpu.memory_space<hbm>> -> memref<100002x64xf32, #tpu.memory_space<hbm>>
    tpu.enqueue_indirect_dma source(%dma_start3A_144 : memref<100002x64xf32, #tpu.memory_space<hbm>>) target(%dma_start3A_138 : memref<128x64xf32, #tpu.memory_space<vmem>>) offsets(%dma_start3A_141 : memref<128xi32, #tpu.memory_space<vmem>>) semaphore(%arg9 : memref<!tpu.dma_semaphore, #tpu.memory_space<semaphore_mem>>)
    %dma_start3A_145 = arith.constant 5 : i32
    %dma_start3A_146 = arith.constant 2 : i32
    %dma_start3A_147 = arith.constant 1 : i32
    %dma_start3A_148 = arith.constant 128 : i32
    %dma_start3A_149 = arith.constant 0 : i32
    %dma_start3A_150 = tpu.memref_slice %arg6[%dma_start3A_146, %dma_start3A_147, %dma_start3A_148, %dma_start3A_149] : memref<4x2x200x64xf32, #tpu.memory_space<vmem>> -> memref<1x1x72x64xf32, #tpu.memory_space<vmem>>
    %dma_start3A_151 = tpu.memref_squeeze %dma_start3A_150 : memref<1x1x72x64xf32, #tpu.memory_space<vmem>> -> memref<72x64xf32, #tpu.memory_space<vmem>>
    %dma_start3A_152 = arith.constant 128 : i32
    %dma_start3A_153 = tpu.memref_slice %arg5[%dma_start3A_145, %dma_start3A_152] : memref<128x200xi32, #tpu.memory_space<vmem>> -> memref<1x72xi32, #tpu.memory_space<vmem>>
    %dma_start3A_154 = tpu.memref_squeeze %dma_start3A_153 : memref<1x72xi32, #tpu.memory_space<vmem>> -> memref<72xi32, #tpu.memory_space<vmem>>
    %dma_start3A_155 = arith.constant 0 : i32
    %dma_start3A_156 = arith.constant 0 : i32
    %dma_start3A_157 = tpu.memref_slice %arg2[%dma_start3A_155, %dma_start3A_156] : memref<100002x64xf32, #tpu.memory_space<hbm>> -> memref<100002x64xf32, #tpu.memory_space<hbm>>
    tpu.enqueue_indirect_dma source(%dma_start3A_157 : memref<100002x64xf32, #tpu.memory_space<hbm>>) target(%dma_start3A_151 : memref<72x64xf32, #tpu.memory_space<vmem>>) offsets(%dma_start3A_154 : memref<72xi32, #tpu.memory_space<vmem>>) semaphore(%arg9 : memref<!tpu.dma_semaphore, #tpu.memory_space<semaphore_mem>>)
    %scan3A = arith.constant 0 : i32
    %scan3A_158 = arith.constant 0 : i32
    %scan3A_159 = arith.constant 16 : i32
    %scan3A_160 = arith.addi %scan3A_158, %scan3A_159 : i32
    %scan3A_161 = arith.constant 1 : i32
    %scan3A_162 = scf.for %scan3A_239 = %scan3A_158 to %scan3A_160 step %scan3A_161 iter_args(%scan3A_240 = %scan3A) -> (i32)  : i32 {
      %mul3A_241 = arith.constant 4 : i32
      %mul3A_242 = arith.muli %scan3A_239, %mul3A_241 : i32
      %add3A_243 = arith.constant 0 : i32
      %add3A_244 = arith.addi %mul3A_242, %add3A_243 : i32
      %add3A_245 = arith.constant 4 : i32
      %add3A_246 = arith.addi %add3A_244, %add3A_245 : i32
      %sub3A = arith.constant 1 : i32
      %sub3A_247 = arith.subi %add3A_246, %sub3A : i32
      %lt3A = arith.constant 64 : i32
      %lt3A_248 = arith.cmpi slt, %sub3A_247, %lt3A : i32
      %convert_element_type3A = arith.extui %lt3A_248 : i1 to i32
      %cond3A = arith.constant 0 : i32
      %cond3A_249 = arith.cmpi ne, %convert_element_type3A, %cond3A : i32
      scf.if %cond3A_249 {
        %ge3A = arith.constant 1 : i32
        %ge3A_626 = arith.cmpi sge, %add3A_244, %ge3A : i32
        %convert_element_type3A_627 = arith.extui %ge3A_626 : i1 to i32
        %cond3A_628 = arith.constant 0 : i32
        %cond3A_629 = arith.cmpi ne, %convert_element_type3A_627, %cond3A_628 : i32
        scf.if %cond3A_629 {
          %sub3A_698 = arith.constant 1 : i32
          %sub3A_699 = arith.subi %add3A_244, %sub3A_698 : i32
          %mul3A_700 = arith.constant 2 : i32
          %mul3A_701 = arith.muli %sub3A_699, %mul3A_700 : i32
          %add3A_702 = arith.addi %mul3A_2, %mul3A_701 : i32
          %dma_wait3A_703 = arith.constant 3 : i32
          %dma_wait3A_704 = arith.constant 0 : i32
          %dma_wait3A_705 = arith.constant 0 : i32
          %dma_wait3A_706 = arith.constant 0 : i32
          %dma_wait3A_707 = tpu.memref_slice %arg6[%dma_wait3A_703, %dma_wait3A_704, %dma_wait3A_705, %dma_wait3A_706] : memref<4x2x200x64xf32, #tpu.memory_space<vmem>> -> memref<1x2x200x64xf32, #tpu.memory_space<vmem>>
          %dma_wait3A_708 = tpu.memref_squeeze %dma_wait3A_707 : memref<1x2x200x64xf32, #tpu.memory_space<vmem>> -> memref<2x200x64xf32, #tpu.memory_space<vmem>>
          %dma_wait3A_709 = arith.constant 0 : i32
          %dma_wait3A_710 = arith.constant 0 : i32
          %dma_wait3A_711 = tpu.memref_slice %arg4[%add3A_702, %dma_wait3A_709, %dma_wait3A_710] : memref<4096x200x128xf32, #tpu.memory_space<hbm>> -> memref<2x200x64xf32, #tpu.memory_space<hbm>>
          %dma_wait3A_712 = arith.constant 0 : i32
          %dma_wait3A_713 = arith.constant 0 : i32
          %dma_wait3A_714 = tpu.memref_slice %arg4[%add3A_702, %dma_wait3A_712, %dma_wait3A_713] : memref<4096x200x128xf32, #tpu.memory_space<hbm>> -> memref<2x200x64xf32, #tpu.memory_space<hbm>>
          %dma_wait3A_715 = arith.constant 0 : i32
          %dma_wait3A_716 = arith.constant 0 : i32
          %dma_wait3A_717 = arith.constant 0 : i32
          %dma_wait3A_718 = tpu.memref_slice %arg6[%dma_wait3A_703, %dma_wait3A_715, %dma_wait3A_716, %dma_wait3A_717] : memref<4x2x200x64xf32, #tpu.memory_space<vmem>> -> memref<1x2x200x64xf32, #tpu.memory_space<vmem>>
          %dma_wait3A_719 = tpu.memref_squeeze %dma_wait3A_718 : memref<1x2x200x64xf32, #tpu.memory_space<vmem>> -> memref<2x200x64xf32, #tpu.memory_space<vmem>>
          tpu.wait_dma2 semaphore(%arg14 : memref<!tpu.dma_semaphore, #tpu.memory_space<semaphore_mem>>) src(%dma_wait3A_719 : memref<2x200x64xf32, #tpu.memory_space<vmem>>) dst(%dma_wait3A_714 : memref<2x200x64xf32, #tpu.memory_space<hbm>>)
        } else {
        }
        %add3A_630 = arith.constant 4 : i32
        %add3A_631 = arith.addi %add3A_244, %add3A_630 : i32
        %sub3A_632 = arith.constant 1 : i32
        %sub3A_633 = arith.subi %add3A_631, %sub3A_632 : i32
        %mul3A_634 = arith.constant 2 : i32
        %mul3A_635 = arith.muli %sub3A_633, %mul3A_634 : i32
        %add3A_636 = arith.constant 0 : i32
        %add3A_637 = arith.addi %mul3A_635, %add3A_636 : i32
        %dma_start3A_638 = arith.constant 3 : i32
        %dma_start3A_639 = arith.constant 0 : i32
        %dma_start3A_640 = arith.constant 0 : i32
        %dma_start3A_641 = arith.constant 0 : i32
        %dma_start3A_642 = tpu.memref_slice %arg6[%dma_start3A_638, %dma_start3A_639, %dma_start3A_640, %dma_start3A_641] : memref<4x2x200x64xf32, #tpu.memory_space<vmem>> -> memref<1x1x128x64xf32, #tpu.memory_space<vmem>>
        %dma_start3A_643 = tpu.memref_squeeze %dma_start3A_642 : memref<1x1x128x64xf32, #tpu.memory_space<vmem>> -> memref<128x64xf32, #tpu.memory_space<vmem>>
        %dma_start3A_644 = arith.constant 0 : i32
        %dma_start3A_645 = tpu.memref_slice %arg5[%add3A_637, %dma_start3A_644] : memref<128x200xi32, #tpu.memory_space<vmem>> -> memref<1x128xi32, #tpu.memory_space<vmem>>
        %dma_start3A_646 = tpu.memref_squeeze %dma_start3A_645 : memref<1x128xi32, #tpu.memory_space<vmem>> -> memref<128xi32, #tpu.memory_space<vmem>>
        %dma_start3A_647 = arith.constant 0 : i32
        %dma_start3A_648 = arith.constant 0 : i32
        %dma_start3A_649 = tpu.memref_slice %arg2[%dma_start3A_647, %dma_start3A_648] : memref<100002x64xf32, #tpu.memory_space<hbm>> -> memref<100002x64xf32, #tpu.memory_space<hbm>>
        tpu.enqueue_indirect_dma source(%dma_start3A_649 : memref<100002x64xf32, #tpu.memory_space<hbm>>) target(%dma_start3A_643 : memref<128x64xf32, #tpu.memory_space<vmem>>) offsets(%dma_start3A_646 : memref<128xi32, #tpu.memory_space<vmem>>) semaphore(%arg10 : memref<!tpu.dma_semaphore, #tpu.memory_space<semaphore_mem>>)
        %mul3A_650 = arith.constant 2 : i32
        %mul3A_651 = arith.muli %sub3A_633, %mul3A_650 : i32
        %add3A_652 = arith.constant 0 : i32
        %add3A_653 = arith.addi %mul3A_651, %add3A_652 : i32
        %dma_start3A_654 = arith.constant 3 : i32
        %dma_start3A_655 = arith.constant 0 : i32
        %dma_start3A_656 = arith.constant 128 : i32
        %dma_start3A_657 = arith.constant 0 : i32
        %dma_start3A_658 = tpu.memref_slice %arg6[%dma_start3A_654, %dma_start3A_655, %dma_start3A_656, %dma_start3A_657] : memref<4x2x200x64xf32, #tpu.memory_space<vmem>> -> memref<1x1x72x64xf32, #tpu.memory_space<vmem>>
        %dma_start3A_659 = tpu.memref_squeeze %dma_start3A_658 : memref<1x1x72x64xf32, #tpu.memory_space<vmem>> -> memref<72x64xf32, #tpu.memory_space<vmem>>
        %dma_start3A_660 = arith.constant 128 : i32
        %dma_start3A_661 = tpu.memref_slice %arg5[%add3A_653, %dma_start3A_660] : memref<128x200xi32, #tpu.memory_space<vmem>> -> memref<1x72xi32, #tpu.memory_space<vmem>>
        %dma_start3A_662 = tpu.memref_squeeze %dma_start3A_661 : memref<1x72xi32, #tpu.memory_space<vmem>> -> memref<72xi32, #tpu.memory_space<vmem>>
        %dma_start3A_663 = arith.constant 0 : i32
        %dma_start3A_664 = arith.constant 0 : i32
        %dma_start3A_665 = tpu.memref_slice %arg2[%dma_start3A_663, %dma_start3A_664] : memref<100002x64xf32, #tpu.memory_space<hbm>> -> memref<100002x64xf32, #tpu.memory_space<hbm>>
        tpu.enqueue_indirect_dma source(%dma_start3A_665 : memref<100002x64xf32, #tpu.memory_space<hbm>>) target(%dma_start3A_659 : memref<72x64xf32, #tpu.memory_space<vmem>>) offsets(%dma_start3A_662 : memref<72xi32, #tpu.memory_space<vmem>>) semaphore(%arg10 : memref<!tpu.dma_semaphore, #tpu.memory_space<semaphore_mem>>)
        %mul3A_666 = arith.constant 2 : i32
        %mul3A_667 = arith.muli %sub3A_633, %mul3A_666 : i32
        %add3A_668 = arith.constant 1 : i32
        %add3A_669 = arith.addi %mul3A_667, %add3A_668 : i32
        %dma_start3A_670 = arith.constant 3 : i32
        %dma_start3A_671 = arith.constant 1 : i32
        %dma_start3A_672 = arith.constant 0 : i32
        %dma_start3A_673 = arith.constant 0 : i32
        %dma_start3A_674 = tpu.memref_slice %arg6[%dma_start3A_670, %dma_start3A_671, %dma_start3A_672, %dma_start3A_673] : memref<4x2x200x64xf32, #tpu.memory_space<vmem>> -> memref<1x1x128x64xf32, #tpu.memory_space<vmem>>
        %dma_start3A_675 = tpu.memref_squeeze %dma_start3A_674 : memref<1x1x128x64xf32, #tpu.memory_space<vmem>> -> memref<128x64xf32, #tpu.memory_space<vmem>>
        %dma_start3A_676 = arith.constant 0 : i32
        %dma_start3A_677 = tpu.memref_slice %arg5[%add3A_669, %dma_start3A_676] : memref<128x200xi32, #tpu.memory_space<vmem>> -> memref<1x128xi32, #tpu.memory_space<vmem>>
        %dma_start3A_678 = tpu.memref_squeeze %dma_start3A_677 : memref<1x128xi32, #tpu.memory_space<vmem>> -> memref<128xi32, #tpu.memory_space<vmem>>
        %dma_start3A_679 = arith.constant 0 : i32
        %dma_start3A_680 = arith.constant 0 : i32
        %dma_start3A_681 = tpu.memref_slice %arg2[%dma_start3A_679, %dma_start3A_680] : memref<100002x64xf32, #tpu.memory_space<hbm>> -> memref<100002x64xf32, #tpu.memory_space<hbm>>
        tpu.enqueue_indirect_dma source(%dma_start3A_681 : memref<100002x64xf32, #tpu.memory_space<hbm>>) target(%dma_start3A_675 : memref<128x64xf32, #tpu.memory_space<vmem>>) offsets(%dma_start3A_678 : memref<128xi32, #tpu.memory_space<vmem>>) semaphore(%arg10 : memref<!tpu.dma_semaphore, #tpu.memory_space<semaphore_mem>>)
        %mul3A_682 = arith.constant 2 : i32
        %mul3A_683 = arith.muli %sub3A_633, %mul3A_682 : i32
        %add3A_684 = arith.constant 1 : i32
        %add3A_685 = arith.addi %mul3A_683, %add3A_684 : i32
        %dma_start3A_686 = arith.constant 3 : i32
        %dma_start3A_687 = arith.constant 1 : i32
        %dma_start3A_688 = arith.constant 128 : i32
        %dma_start3A_689 = arith.constant 0 : i32
        %dma_start3A_690 = tpu.memref_slice %arg6[%dma_start3A_686, %dma_start3A_687, %dma_start3A_688, %dma_start3A_689] : memref<4x2x200x64xf32, #tpu.memory_space<vmem>> -> memref<1x1x72x64xf32, #tpu.memory_space<vmem>>
        %dma_start3A_691 = tpu.memref_squeeze %dma_start3A_690 : memref<1x1x72x64xf32, #tpu.memory_space<vmem>> -> memref<72x64xf32, #tpu.memory_space<vmem>>
        %dma_start3A_692 = arith.constant 128 : i32
        %dma_start3A_693 = tpu.memref_slice %arg5[%add3A_685, %dma_start3A_692] : memref<128x200xi32, #tpu.memory_space<vmem>> -> memref<1x72xi32, #tpu.memory_space<vmem>>
        %dma_start3A_694 = tpu.memref_squeeze %dma_start3A_693 : memref<1x72xi32, #tpu.memory_space<vmem>> -> memref<72xi32, #tpu.memory_space<vmem>>
        %dma_start3A_695 = arith.constant 0 : i32
        %dma_start3A_696 = arith.constant 0 : i32
        %dma_start3A_697 = tpu.memref_slice %arg2[%dma_start3A_695, %dma_start3A_696] : memref<100002x64xf32, #tpu.memory_space<hbm>> -> memref<100002x64xf32, #tpu.memory_space<hbm>>
        tpu.enqueue_indirect_dma source(%dma_start3A_697 : memref<100002x64xf32, #tpu.memory_space<hbm>>) target(%dma_start3A_691 : memref<72x64xf32, #tpu.memory_space<vmem>>) offsets(%dma_start3A_694 : memref<72xi32, #tpu.memory_space<vmem>>) semaphore(%arg10 : memref<!tpu.dma_semaphore, #tpu.memory_space<semaphore_mem>>)
      } else {
      }
      %mul3A_250 = arith.constant 2 : i32
      %mul3A_251 = arith.muli %add3A_244, %mul3A_250 : i32
      %add3A_252 = arith.constant 0 : i32
      %add3A_253 = arith.addi %mul3A_251, %add3A_252 : i32
      %dma_wait3A_254 = arith.constant 0 : i32
      %dma_wait3A_255 = arith.constant 0 : i32
      %dma_wait3A_256 = arith.constant 0 : i32
      %dma_wait3A_257 = arith.constant 0 : i32
      %dma_wait3A_258 = tpu.memref_slice %arg6[%dma_wait3A_254, %dma_wait3A_255, %dma_wait3A_256, %dma_wait3A_257] : memref<4x2x200x64xf32, #tpu.memory_space<vmem>> -> memref<1x1x128x64xf32, #tpu.memory_space<vmem>>
      %dma_wait3A_259 = tpu.memref_squeeze %dma_wait3A_258 : memref<1x1x128x64xf32, #tpu.memory_space<vmem>> -> memref<128x64xf32, #tpu.memory_space<vmem>>
      %dma_wait3A_260 = arith.constant 0 : i32
      %dma_wait3A_261 = tpu.memref_slice %arg5[%add3A_253, %dma_wait3A_260] : memref<128x200xi32, #tpu.memory_space<vmem>> -> memref<1x128xi32, #tpu.memory_space<vmem>>
      %dma_wait3A_262 = tpu.memref_squeeze %dma_wait3A_261 : memref<1x128xi32, #tpu.memory_space<vmem>> -> memref<128xi32, #tpu.memory_space<vmem>>
      %dma_wait3A_263 = arith.constant 0 : i32
      %dma_wait3A_264 = arith.constant 0 : i32
      %dma_wait3A_265 = tpu.memref_slice %arg2[%dma_wait3A_263, %dma_wait3A_264] : memref<100002x64xf32, #tpu.memory_space<hbm>> -> memref<100002x64xf32, #tpu.memory_space<hbm>>
      tpu.wait_indirect_dma semaphore(%arg7 : memref<!tpu.dma_semaphore, #tpu.memory_space<semaphore_mem>>) src(%dma_wait3A_265 : memref<100002x64xf32, #tpu.memory_space<hbm>>) dst(%dma_wait3A_259 : memref<128x64xf32, #tpu.memory_space<vmem>>)
      %mul3A_266 = arith.constant 2 : i32
      %mul3A_267 = arith.muli %add3A_244, %mul3A_266 : i32
      %add3A_268 = arith.constant 0 : i32
      %add3A_269 = arith.addi %mul3A_267, %add3A_268 : i32
      %dma_wait3A_270 = arith.constant 0 : i32
      %dma_wait3A_271 = arith.constant 0 : i32
      %dma_wait3A_272 = arith.constant 128 : i32
      %dma_wait3A_273 = arith.constant 0 : i32
      %dma_wait3A_274 = tpu.memref_slice %arg6[%dma_wait3A_270, %dma_wait3A_271, %dma_wait3A_272, %dma_wait3A_273] : memref<4x2x200x64xf32, #tpu.memory_space<vmem>> -> memref<1x1x72x64xf32, #tpu.memory_space<vmem>>
      %dma_wait3A_275 = tpu.memref_squeeze %dma_wait3A_274 : memref<1x1x72x64xf32, #tpu.memory_space<vmem>> -> memref<72x64xf32, #tpu.memory_space<vmem>>
      %dma_wait3A_276 = arith.constant 128 : i32
      %dma_wait3A_277 = tpu.memref_slice %arg5[%add3A_269, %dma_wait3A_276] : memref<128x200xi32, #tpu.memory_space<vmem>> -> memref<1x72xi32, #tpu.memory_space<vmem>>
      %dma_wait3A_278 = tpu.memref_squeeze %dma_wait3A_277 : memref<1x72xi32, #tpu.memory_space<vmem>> -> memref<72xi32, #tpu.memory_space<vmem>>
      %dma_wait3A_279 = arith.constant 0 : i32
      %dma_wait3A_280 = arith.constant 0 : i32
      %dma_wait3A_281 = tpu.memref_slice %arg2[%dma_wait3A_279, %dma_wait3A_280] : memref<100002x64xf32, #tpu.memory_space<hbm>> -> memref<100002x64xf32, #tpu.memory_space<hbm>>
      tpu.wait_indirect_dma semaphore(%arg7 : memref<!tpu.dma_semaphore, #tpu.memory_space<semaphore_mem>>) src(%dma_wait3A_281 : memref<100002x64xf32, #tpu.memory_space<hbm>>) dst(%dma_wait3A_275 : memref<72x64xf32, #tpu.memory_space<vmem>>)
      %mul3A_282 = arith.constant 2 : i32
      %mul3A_283 = arith.muli %add3A_244, %mul3A_282 : i32
      %add3A_284 = arith.constant 1 : i32
      %add3A_285 = arith.addi %mul3A_283, %add3A_284 : i32
      %dma_wait3A_286 = arith.constant 0 : i32
      %dma_wait3A_287 = arith.constant 1 : i32
      %dma_wait3A_288 = arith.constant 0 : i32
      %dma_wait3A_289 = arith.constant 0 : i32
      %dma_wait3A_290 = tpu.memref_slice %arg6[%dma_wait3A_286, %dma_wait3A_287, %dma_wait3A_288, %dma_wait3A_289] : memref<4x2x200x64xf32, #tpu.memory_space<vmem>> -> memref<1x1x128x64xf32, #tpu.memory_space<vmem>>
      %dma_wait3A_291 = tpu.memref_squeeze %dma_wait3A_290 : memref<1x1x128x64xf32, #tpu.memory_space<vmem>> -> memref<128x64xf32, #tpu.memory_space<vmem>>
      %dma_wait3A_292 = arith.constant 0 : i32
      %dma_wait3A_293 = tpu.memref_slice %arg5[%add3A_285, %dma_wait3A_292] : memref<128x200xi32, #tpu.memory_space<vmem>> -> memref<1x128xi32, #tpu.memory_space<vmem>>
      %dma_wait3A_294 = tpu.memref_squeeze %dma_wait3A_293 : memref<1x128xi32, #tpu.memory_space<vmem>> -> memref<128xi32, #tpu.memory_space<vmem>>
      %dma_wait3A_295 = arith.constant 0 : i32
      %dma_wait3A_296 = arith.constant 0 : i32
      %dma_wait3A_297 = tpu.memref_slice %arg2[%dma_wait3A_295, %dma_wait3A_296] : memref<100002x64xf32, #tpu.memory_space<hbm>> -> memref<100002x64xf32, #tpu.memory_space<hbm>>
      tpu.wait_indirect_dma semaphore(%arg7 : memref<!tpu.dma_semaphore, #tpu.memory_space<semaphore_mem>>) src(%dma_wait3A_297 : memref<100002x64xf32, #tpu.memory_space<hbm>>) dst(%dma_wait3A_291 : memref<128x64xf32, #tpu.memory_space<vmem>>)
      %mul3A_298 = arith.constant 2 : i32
      %mul3A_299 = arith.muli %add3A_244, %mul3A_298 : i32
      %add3A_300 = arith.constant 1 : i32
      %add3A_301 = arith.addi %mul3A_299, %add3A_300 : i32
      %dma_wait3A_302 = arith.constant 0 : i32
      %dma_wait3A_303 = arith.constant 1 : i32
      %dma_wait3A_304 = arith.constant 128 : i32
      %dma_wait3A_305 = arith.constant 0 : i32
      %dma_wait3A_306 = tpu.memref_slice %arg6[%dma_wait3A_302, %dma_wait3A_303, %dma_wait3A_304, %dma_wait3A_305] : memref<4x2x200x64xf32, #tpu.memory_space<vmem>> -> memref<1x1x72x64xf32, #tpu.memory_space<vmem>>
      %dma_wait3A_307 = tpu.memref_squeeze %dma_wait3A_306 : memref<1x1x72x64xf32, #tpu.memory_space<vmem>> -> memref<72x64xf32, #tpu.memory_space<vmem>>
      %dma_wait3A_308 = arith.constant 128 : i32
      %dma_wait3A_309 = tpu.memref_slice %arg5[%add3A_301, %dma_wait3A_308] : memref<128x200xi32, #tpu.memory_space<vmem>> -> memref<1x72xi32, #tpu.memory_space<vmem>>
      %dma_wait3A_310 = tpu.memref_squeeze %dma_wait3A_309 : memref<1x72xi32, #tpu.memory_space<vmem>> -> memref<72xi32, #tpu.memory_space<vmem>>
      %dma_wait3A_311 = arith.constant 0 : i32
      %dma_wait3A_312 = arith.constant 0 : i32
      %dma_wait3A_313 = tpu.memref_slice %arg2[%dma_wait3A_311, %dma_wait3A_312] : memref<100002x64xf32, #tpu.memory_space<hbm>> -> memref<100002x64xf32, #tpu.memory_space<hbm>>
      tpu.wait_indirect_dma semaphore(%arg7 : memref<!tpu.dma_semaphore, #tpu.memory_space<semaphore_mem>>) src(%dma_wait3A_313 : memref<100002x64xf32, #tpu.memory_space<hbm>>) dst(%dma_wait3A_307 : memref<72x64xf32, #tpu.memory_space<vmem>>)
      %mul3A_314 = arith.constant 2 : i32
      %mul3A_315 = arith.muli %add3A_244, %mul3A_314 : i32
      %add3A_316 = arith.addi %mul3A_2, %mul3A_315 : i32
      %dma_start3A_317 = arith.constant 0 : i32
      %dma_start3A_318 = arith.constant 0 : i32
      %dma_start3A_319 = arith.constant 0 : i32
      %dma_start3A_320 = arith.constant 0 : i32
      %dma_start3A_321 = tpu.memref_slice %arg6[%dma_start3A_317, %dma_start3A_318, %dma_start3A_319, %dma_start3A_320] : memref<4x2x200x64xf32, #tpu.memory_space<vmem>> -> memref<1x2x200x64xf32, #tpu.memory_space<vmem>>
      %dma_start3A_322 = tpu.memref_squeeze %dma_start3A_321 : memref<1x2x200x64xf32, #tpu.memory_space<vmem>> -> memref<2x200x64xf32, #tpu.memory_space<vmem>>
      %dma_start3A_323 = arith.constant 0 : i32
      %dma_start3A_324 = arith.constant 0 : i32
      %dma_start3A_325 = tpu.memref_slice %arg4[%add3A_316, %dma_start3A_323, %dma_start3A_324] : memref<4096x200x128xf32, #tpu.memory_space<hbm>> -> memref<2x200x64xf32, #tpu.memory_space<hbm>>
      %dma_start3A_326 = arith.constant 0 : i32
      %dma_start3A_327 = arith.constant 0 : i32
      %dma_start3A_328 = tpu.memref_slice %arg4[%add3A_316, %dma_start3A_326, %dma_start3A_327] : memref<4096x200x128xf32, #tpu.memory_space<hbm>> -> memref<2x200x64xf32, #tpu.memory_space<hbm>>
      %dma_start3A_329 = arith.constant 0 : i32
      %dma_start3A_330 = arith.constant 0 : i32
      %dma_start3A_331 = arith.constant 0 : i32
      %dma_start3A_332 = tpu.memref_slice %arg6[%dma_start3A_317, %dma_start3A_329, %dma_start3A_330, %dma_start3A_331] : memref<4x2x200x64xf32, #tpu.memory_space<vmem>> -> memref<1x2x200x64xf32, #tpu.memory_space<vmem>>
      %dma_start3A_333 = tpu.memref_squeeze %dma_start3A_332 : memref<1x2x200x64xf32, #tpu.memory_space<vmem>> -> memref<2x200x64xf32, #tpu.memory_space<vmem>>
      tpu.enqueue_dma source(%dma_start3A_333 : memref<2x200x64xf32, #tpu.memory_space<vmem>>) target(%dma_start3A_328 : memref<2x200x64xf32, #tpu.memory_space<hbm>>) target_semaphore(%arg11 : memref<!tpu.dma_semaphore, #tpu.memory_space<semaphore_mem>>)
      %mul3A_334 = arith.constant 4 : i32
      %mul3A_335 = arith.muli %scan3A_239, %mul3A_334 : i32
      %add3A_336 = arith.constant 1 : i32
      %add3A_337 = arith.addi %mul3A_335, %add3A_336 : i32
      %add3A_338 = arith.constant 4 : i32
      %add3A_339 = arith.addi %add3A_337, %add3A_338 : i32
      %sub3A_340 = arith.constant 1 : i32
      %sub3A_341 = arith.subi %add3A_339, %sub3A_340 : i32
      %lt3A_342 = arith.constant 64 : i32
      %lt3A_343 = arith.cmpi slt, %sub3A_341, %lt3A_342 : i32
      %convert_element_type3A_344 = arith.extui %lt3A_343 : i1 to i32
      %cond3A_345 = arith.constant 0 : i32
      %cond3A_346 = arith.cmpi ne, %convert_element_type3A_344, %cond3A_345 : i32
      scf.if %cond3A_346 {
        %ge3A = arith.constant 1 : i32
        %ge3A_626 = arith.cmpi sge, %add3A_337, %ge3A : i32
        %convert_element_type3A_627 = arith.extui %ge3A_626 : i1 to i32
        %cond3A_628 = arith.constant 0 : i32
        %cond3A_629 = arith.cmpi ne, %convert_element_type3A_627, %cond3A_628 : i32
        scf.if %cond3A_629 {
          %sub3A_698 = arith.constant 1 : i32
          %sub3A_699 = arith.subi %add3A_337, %sub3A_698 : i32
          %mul3A_700 = arith.constant 2 : i32
          %mul3A_701 = arith.muli %sub3A_699, %mul3A_700 : i32
          %add3A_702 = arith.addi %mul3A_2, %mul3A_701 : i32
          %dma_wait3A_703 = arith.constant 0 : i32
          %dma_wait3A_704 = arith.constant 0 : i32
          %dma_wait3A_705 = arith.constant 0 : i32
          %dma_wait3A_706 = arith.constant 0 : i32
          %dma_wait3A_707 = tpu.memref_slice %arg6[%dma_wait3A_703, %dma_wait3A_704, %dma_wait3A_705, %dma_wait3A_706] : memref<4x2x200x64xf32, #tpu.memory_space<vmem>> -> memref<1x2x200x64xf32, #tpu.memory_space<vmem>>
          %dma_wait3A_708 = tpu.memref_squeeze %dma_wait3A_707 : memref<1x2x200x64xf32, #tpu.memory_space<vmem>> -> memref<2x200x64xf32, #tpu.memory_space<vmem>>
          %dma_wait3A_709 = arith.constant 0 : i32
          %dma_wait3A_710 = arith.constant 0 : i32
          %dma_wait3A_711 = tpu.memref_slice %arg4[%add3A_702, %dma_wait3A_709, %dma_wait3A_710] : memref<4096x200x128xf32, #tpu.memory_space<hbm>> -> memref<2x200x64xf32, #tpu.memory_space<hbm>>
          %dma_wait3A_712 = arith.constant 0 : i32
          %dma_wait3A_713 = arith.constant 0 : i32
          %dma_wait3A_714 = tpu.memref_slice %arg4[%add3A_702, %dma_wait3A_712, %dma_wait3A_713] : memref<4096x200x128xf32, #tpu.memory_space<hbm>> -> memref<2x200x64xf32, #tpu.memory_space<hbm>>
          %dma_wait3A_715 = arith.constant 0 : i32
          %dma_wait3A_716 = arith.constant 0 : i32
          %dma_wait3A_717 = arith.constant 0 : i32
          %dma_wait3A_718 = tpu.memref_slice %arg6[%dma_wait3A_703, %dma_wait3A_715, %dma_wait3A_716, %dma_wait3A_717] : memref<4x2x200x64xf32, #tpu.memory_space<vmem>> -> memref<1x2x200x64xf32, #tpu.memory_space<vmem>>
          %dma_wait3A_719 = tpu.memref_squeeze %dma_wait3A_718 : memref<1x2x200x64xf32, #tpu.memory_space<vmem>> -> memref<2x200x64xf32, #tpu.memory_space<vmem>>
          tpu.wait_dma2 semaphore(%arg11 : memref<!tpu.dma_semaphore, #tpu.memory_space<semaphore_mem>>) src(%dma_wait3A_719 : memref<2x200x64xf32, #tpu.memory_space<vmem>>) dst(%dma_wait3A_714 : memref<2x200x64xf32, #tpu.memory_space<hbm>>)
        } else {
        }
        %add3A_630 = arith.constant 4 : i32
        %add3A_631 = arith.addi %add3A_337, %add3A_630 : i32
        %sub3A_632 = arith.constant 1 : i32
        %sub3A_633 = arith.subi %add3A_631, %sub3A_632 : i32
        %mul3A_634 = arith.constant 2 : i32
        %mul3A_635 = arith.muli %sub3A_633, %mul3A_634 : i32
        %add3A_636 = arith.constant 0 : i32
        %add3A_637 = arith.addi %mul3A_635, %add3A_636 : i32
        %dma_start3A_638 = arith.constant 0 : i32
        %dma_start3A_639 = arith.constant 0 : i32
        %dma_start3A_640 = arith.constant 0 : i32
        %dma_start3A_641 = arith.constant 0 : i32
        %dma_start3A_642 = tpu.memref_slice %arg6[%dma_start3A_638, %dma_start3A_639, %dma_start3A_640, %dma_start3A_641] : memref<4x2x200x64xf32, #tpu.memory_space<vmem>> -> memref<1x1x128x64xf32, #tpu.memory_space<vmem>>
        %dma_start3A_643 = tpu.memref_squeeze %dma_start3A_642 : memref<1x1x128x64xf32, #tpu.memory_space<vmem>> -> memref<128x64xf32, #tpu.memory_space<vmem>>
        %dma_start3A_644 = arith.constant 0 : i32
        %dma_start3A_645 = tpu.memref_slice %arg5[%add3A_637, %dma_start3A_644] : memref<128x200xi32, #tpu.memory_space<vmem>> -> memref<1x128xi32, #tpu.memory_space<vmem>>
        %dma_start3A_646 = tpu.memref_squeeze %dma_start3A_645 : memref<1x128xi32, #tpu.memory_space<vmem>> -> memref<128xi32, #tpu.memory_space<vmem>>
        %dma_start3A_647 = arith.constant 0 : i32
        %dma_start3A_648 = arith.constant 0 : i32
        %dma_start3A_649 = tpu.memref_slice %arg2[%dma_start3A_647, %dma_start3A_648] : memref<100002x64xf32, #tpu.memory_space<hbm>> -> memref<100002x64xf32, #tpu.memory_space<hbm>>
        tpu.enqueue_indirect_dma source(%dma_start3A_649 : memref<100002x64xf32, #tpu.memory_space<hbm>>) target(%dma_start3A_643 : memref<128x64xf32, #tpu.memory_space<vmem>>) offsets(%dma_start3A_646 : memref<128xi32, #tpu.memory_space<vmem>>) semaphore(%arg7 : memref<!tpu.dma_semaphore, #tpu.memory_space<semaphore_mem>>)
        %mul3A_650 = arith.constant 2 : i32
        %mul3A_651 = arith.muli %sub3A_633, %mul3A_650 : i32
        %add3A_652 = arith.constant 0 : i32
        %add3A_653 = arith.addi %mul3A_651, %add3A_652 : i32
        %dma_start3A_654 = arith.constant 0 : i32
        %dma_start3A_655 = arith.constant 0 : i32
        %dma_start3A_656 = arith.constant 128 : i32
        %dma_start3A_657 = arith.constant 0 : i32
        %dma_start3A_658 = tpu.memref_slice %arg6[%dma_start3A_654, %dma_start3A_655, %dma_start3A_656, %dma_start3A_657] : memref<4x2x200x64xf32, #tpu.memory_space<vmem>> -> memref<1x1x72x64xf32, #tpu.memory_space<vmem>>
        %dma_start3A_659 = tpu.memref_squeeze %dma_start3A_658 : memref<1x1x72x64xf32, #tpu.memory_space<vmem>> -> memref<72x64xf32, #tpu.memory_space<vmem>>
        %dma_start3A_660 = arith.constant 128 : i32
        %dma_start3A_661 = tpu.memref_slice %arg5[%add3A_653, %dma_start3A_660] : memref<128x200xi32, #tpu.memory_space<vmem>> -> memref<1x72xi32, #tpu.memory_space<vmem>>
        %dma_start3A_662 = tpu.memref_squeeze %dma_start3A_661 : memref<1x72xi32, #tpu.memory_space<vmem>> -> memref<72xi32, #tpu.memory_space<vmem>>
        %dma_start3A_663 = arith.constant 0 : i32
        %dma_start3A_664 = arith.constant 0 : i32
        %dma_start3A_665 = tpu.memref_slice %arg2[%dma_start3A_663, %dma_start3A_664] : memref<100002x64xf32, #tpu.memory_space<hbm>> -> memref<100002x64xf32, #tpu.memory_space<hbm>>
        tpu.enqueue_indirect_dma source(%dma_start3A_665 : memref<100002x64xf32, #tpu.memory_space<hbm>>) target(%dma_start3A_659 : memref<72x64xf32, #tpu.memory_space<vmem>>) offsets(%dma_start3A_662 : memref<72xi32, #tpu.memory_space<vmem>>) semaphore(%arg7 : memref<!tpu.dma_semaphore, #tpu.memory_space<semaphore_mem>>)
        %mul3A_666 = arith.constant 2 : i32
        %mul3A_667 = arith.muli %sub3A_633, %mul3A_666 : i32
        %add3A_668 = arith.constant 1 : i32
        %add3A_669 = arith.addi %mul3A_667, %add3A_668 : i32
        %dma_start3A_670 = arith.constant 0 : i32
        %dma_start3A_671 = arith.constant 1 : i32
        %dma_start3A_672 = arith.constant 0 : i32
        %dma_start3A_673 = arith.constant 0 : i32
        %dma_start3A_674 = tpu.memref_slice %arg6[%dma_start3A_670, %dma_start3A_671, %dma_start3A_672, %dma_start3A_673] : memref<4x2x200x64xf32, #tpu.memory_space<vmem>> -> memref<1x1x128x64xf32, #tpu.memory_space<vmem>>
        %dma_start3A_675 = tpu.memref_squeeze %dma_start3A_674 : memref<1x1x128x64xf32, #tpu.memory_space<vmem>> -> memref<128x64xf32, #tpu.memory_space<vmem>>
        %dma_start3A_676 = arith.constant 0 : i32
        %dma_start3A_677 = tpu.memref_slice %arg5[%add3A_669, %dma_start3A_676] : memref<128x200xi32, #tpu.memory_space<vmem>> -> memref<1x128xi32, #tpu.memory_space<vmem>>
        %dma_start3A_678 = tpu.memref_squeeze %dma_start3A_677 : memref<1x128xi32, #tpu.memory_space<vmem>> -> memref<128xi32, #tpu.memory_space<vmem>>
        %dma_start3A_679 = arith.constant 0 : i32
        %dma_start3A_680 = arith.constant 0 : i32
        %dma_start3A_681 = tpu.memref_slice %arg2[%dma_start3A_679, %dma_start3A_680] : memref<100002x64xf32, #tpu.memory_space<hbm>> -> memref<100002x64xf32, #tpu.memory_space<hbm>>
        tpu.enqueue_indirect_dma source(%dma_start3A_681 : memref<100002x64xf32, #tpu.memory_space<hbm>>) target(%dma_start3A_675 : memref<128x64xf32, #tpu.memory_space<vmem>>) offsets(%dma_start3A_678 : memref<128xi32, #tpu.memory_space<vmem>>) semaphore(%arg7 : memref<!tpu.dma_semaphore, #tpu.memory_space<semaphore_mem>>)
        %mul3A_682 = arith.constant 2 : i32
        %mul3A_683 = arith.muli %sub3A_633, %mul3A_682 : i32
        %add3A_684 = arith.constant 1 : i32
        %add3A_685 = arith.addi %mul3A_683, %add3A_684 : i32
        %dma_start3A_686 = arith.constant 0 : i32
        %dma_start3A_687 = arith.constant 1 : i32
        %dma_start3A_688 = arith.constant 128 : i32
        %dma_start3A_689 = arith.constant 0 : i32
        %dma_start3A_690 = tpu.memref_slice %arg6[%dma_start3A_686, %dma_start3A_687, %dma_start3A_688, %dma_start3A_689] : memref<4x2x200x64xf32, #tpu.memory_space<vmem>> -> memref<1x1x72x64xf32, #tpu.memory_space<vmem>>
        %dma_start3A_691 = tpu.memref_squeeze %dma_start3A_690 : memref<1x1x72x64xf32, #tpu.memory_space<vmem>> -> memref<72x64xf32, #tpu.memory_space<vmem>>
        %dma_start3A_692 = arith.constant 128 : i32
        %dma_start3A_693 = tpu.memref_slice %arg5[%add3A_685, %dma_start3A_692] : memref<128x200xi32, #tpu.memory_space<vmem>> -> memref<1x72xi32, #tpu.memory_space<vmem>>
        %dma_start3A_694 = tpu.memref_squeeze %dma_start3A_693 : memref<1x72xi32, #tpu.memory_space<vmem>> -> memref<72xi32, #tpu.memory_space<vmem>>
        %dma_start3A_695 = arith.constant 0 : i32
        %dma_start3A_696 = arith.constant 0 : i32
        %dma_start3A_697 = tpu.memref_slice %arg2[%dma_start3A_695, %dma_start3A_696] : memref<100002x64xf32, #tpu.memory_space<hbm>> -> memref<100002x64xf32, #tpu.memory_space<hbm>>
        tpu.enqueue_indirect_dma source(%dma_start3A_697 : memref<100002x64xf32, #tpu.memory_space<hbm>>) target(%dma_start3A_691 : memref<72x64xf32, #tpu.memory_space<vmem>>) offsets(%dma_start3A_694 : memref<72xi32, #tpu.memory_space<vmem>>) semaphore(%arg7 : memref<!tpu.dma_semaphore, #tpu.memory_space<semaphore_mem>>)
      } else {
      }
      %mul3A_347 = arith.constant 2 : i32
      %mul3A_348 = arith.muli %add3A_337, %mul3A_347 : i32
      %add3A_349 = arith.constant 0 : i32
      %add3A_350 = arith.addi %mul3A_348, %add3A_349 : i32
      %dma_wait3A_351 = arith.constant 1 : i32
      %dma_wait3A_352 = arith.constant 0 : i32
      %dma_wait3A_353 = arith.constant 0 : i32
      %dma_wait3A_354 = arith.constant 0 : i32
      %dma_wait3A_355 = tpu.memref_slice %arg6[%dma_wait3A_351, %dma_wait3A_352, %dma_wait3A_353, %dma_wait3A_354] : memref<4x2x200x64xf32, #tpu.memory_space<vmem>> -> memref<1x1x128x64xf32, #tpu.memory_space<vmem>>
      %dma_wait3A_356 = tpu.memref_squeeze %dma_wait3A_355 : memref<1x1x128x64xf32, #tpu.memory_space<vmem>> -> memref<128x64xf32, #tpu.memory_space<vmem>>
      %dma_wait3A_357 = arith.constant 0 : i32
      %dma_wait3A_358 = tpu.memref_slice %arg5[%add3A_350, %dma_wait3A_357] : memref<128x200xi32, #tpu.memory_space<vmem>> -> memref<1x128xi32, #tpu.memory_space<vmem>>
      %dma_wait3A_359 = tpu.memref_squeeze %dma_wait3A_358 : memref<1x128xi32, #tpu.memory_space<vmem>> -> memref<128xi32, #tpu.memory_space<vmem>>
      %dma_wait3A_360 = arith.constant 0 : i32
      %dma_wait3A_361 = arith.constant 0 : i32
      %dma_wait3A_362 = tpu.memref_slice %arg2[%dma_wait3A_360, %dma_wait3A_361] : memref<100002x64xf32, #tpu.memory_space<hbm>> -> memref<100002x64xf32, #tpu.memory_space<hbm>>
      tpu.wait_indirect_dma semaphore(%arg8 : memref<!tpu.dma_semaphore, #tpu.memory_space<semaphore_mem>>) src(%dma_wait3A_362 : memref<100002x64xf32, #tpu.memory_space<hbm>>) dst(%dma_wait3A_356 : memref<128x64xf32, #tpu.memory_space<vmem>>)
      %mul3A_363 = arith.constant 2 : i32
      %mul3A_364 = arith.muli %add3A_337, %mul3A_363 : i32
      %add3A_365 = arith.constant 0 : i32
      %add3A_366 = arith.addi %mul3A_364, %add3A_365 : i32
      %dma_wait3A_367 = arith.constant 1 : i32
      %dma_wait3A_368 = arith.constant 0 : i32
      %dma_wait3A_369 = arith.constant 128 : i32
      %dma_wait3A_370 = arith.constant 0 : i32
      %dma_wait3A_371 = tpu.memref_slice %arg6[%dma_wait3A_367, %dma_wait3A_368, %dma_wait3A_369, %dma_wait3A_370] : memref<4x2x200x64xf32, #tpu.memory_space<vmem>> -> memref<1x1x72x64xf32, #tpu.memory_space<vmem>>
      %dma_wait3A_372 = tpu.memref_squeeze %dma_wait3A_371 : memref<1x1x72x64xf32, #tpu.memory_space<vmem>> -> memref<72x64xf32, #tpu.memory_space<vmem>>
      %dma_wait3A_373 = arith.constant 128 : i32
      %dma_wait3A_374 = tpu.memref_slice %arg5[%add3A_366, %dma_wait3A_373] : memref<128x200xi32, #tpu.memory_space<vmem>> -> memref<1x72xi32, #tpu.memory_space<vmem>>
      %dma_wait3A_375 = tpu.memref_squeeze %dma_wait3A_374 : memref<1x72xi32, #tpu.memory_space<vmem>> -> memref<72xi32, #tpu.memory_space<vmem>>
      %dma_wait3A_376 = arith.constant 0 : i32
      %dma_wait3A_377 = arith.constant 0 : i32
      %dma_wait3A_378 = tpu.memref_slice %arg2[%dma_wait3A_376, %dma_wait3A_377] : memref<100002x64xf32, #tpu.memory_space<hbm>> -> memref<100002x64xf32, #tpu.memory_space<hbm>>
      tpu.wait_indirect_dma semaphore(%arg8 : memref<!tpu.dma_semaphore, #tpu.memory_space<semaphore_mem>>) src(%dma_wait3A_378 : memref<100002x64xf32, #tpu.memory_space<hbm>>) dst(%dma_wait3A_372 : memref<72x64xf32, #tpu.memory_space<vmem>>)
      %mul3A_379 = arith.constant 2 : i32
      %mul3A_380 = arith.muli %add3A_337, %mul3A_379 : i32
      %add3A_381 = arith.constant 1 : i32
      %add3A_382 = arith.addi %mul3A_380, %add3A_381 : i32
      %dma_wait3A_383 = arith.constant 1 : i32
      %dma_wait3A_384 = arith.constant 1 : i32
      %dma_wait3A_385 = arith.constant 0 : i32
      %dma_wait3A_386 = arith.constant 0 : i32
      %dma_wait3A_387 = tpu.memref_slice %arg6[%dma_wait3A_383, %dma_wait3A_384, %dma_wait3A_385, %dma_wait3A_386] : memref<4x2x200x64xf32, #tpu.memory_space<vmem>> -> memref<1x1x128x64xf32, #tpu.memory_space<vmem>>
      %dma_wait3A_388 = tpu.memref_squeeze %dma_wait3A_387 : memref<1x1x128x64xf32, #tpu.memory_space<vmem>> -> memref<128x64xf32, #tpu.memory_space<vmem>>
      %dma_wait3A_389 = arith.constant 0 : i32
      %dma_wait3A_390 = tpu.memref_slice %arg5[%add3A_382, %dma_wait3A_389] : memref<128x200xi32, #tpu.memory_space<vmem>> -> memref<1x128xi32, #tpu.memory_space<vmem>>
      %dma_wait3A_391 = tpu.memref_squeeze %dma_wait3A_390 : memref<1x128xi32, #tpu.memory_space<vmem>> -> memref<128xi32, #tpu.memory_space<vmem>>
      %dma_wait3A_392 = arith.constant 0 : i32
      %dma_wait3A_393 = arith.constant 0 : i32
      %dma_wait3A_394 = tpu.memref_slice %arg2[%dma_wait3A_392, %dma_wait3A_393] : memref<100002x64xf32, #tpu.memory_space<hbm>> -> memref<100002x64xf32, #tpu.memory_space<hbm>>
      tpu.wait_indirect_dma semaphore(%arg8 : memref<!tpu.dma_semaphore, #tpu.memory_space<semaphore_mem>>) src(%dma_wait3A_394 : memref<100002x64xf32, #tpu.memory_space<hbm>>) dst(%dma_wait3A_388 : memref<128x64xf32, #tpu.memory_space<vmem>>)
      %mul3A_395 = arith.constant 2 : i32
      %mul3A_396 = arith.muli %add3A_337, %mul3A_395 : i32
      %add3A_397 = arith.constant 1 : i32
      %add3A_398 = arith.addi %mul3A_396, %add3A_397 : i32
      %dma_wait3A_399 = arith.constant 1 : i32
      %dma_wait3A_400 = arith.constant 1 : i32
      %dma_wait3A_401 = arith.constant 128 : i32
      %dma_wait3A_402 = arith.constant 0 : i32
      %dma_wait3A_403 = tpu.memref_slice %arg6[%dma_wait3A_399, %dma_wait3A_400, %dma_wait3A_401, %dma_wait3A_402] : memref<4x2x200x64xf32, #tpu.memory_space<vmem>> -> memref<1x1x72x64xf32, #tpu.memory_space<vmem>>
      %dma_wait3A_404 = tpu.memref_squeeze %dma_wait3A_403 : memref<1x1x72x64xf32, #tpu.memory_space<vmem>> -> memref<72x64xf32, #tpu.memory_space<vmem>>
      %dma_wait3A_405 = arith.constant 128 : i32
      %dma_wait3A_406 = tpu.memref_slice %arg5[%add3A_398, %dma_wait3A_405] : memref<128x200xi32, #tpu.memory_space<vmem>> -> memref<1x72xi32, #tpu.memory_space<vmem>>
      %dma_wait3A_407 = tpu.memref_squeeze %dma_wait3A_406 : memref<1x72xi32, #tpu.memory_space<vmem>> -> memref<72xi32, #tpu.memory_space<vmem>>
      %dma_wait3A_408 = arith.constant 0 : i32
      %dma_wait3A_409 = arith.constant 0 : i32
      %dma_wait3A_410 = tpu.memref_slice %arg2[%dma_wait3A_408, %dma_wait3A_409] : memref<100002x64xf32, #tpu.memory_space<hbm>> -> memref<100002x64xf32, #tpu.memory_space<hbm>>
      tpu.wait_indirect_dma semaphore(%arg8 : memref<!tpu.dma_semaphore, #tpu.memory_space<semaphore_mem>>) src(%dma_wait3A_410 : memref<100002x64xf32, #tpu.memory_space<hbm>>) dst(%dma_wait3A_404 : memref<72x64xf32, #tpu.memory_space<vmem>>)
      %mul3A_411 = arith.constant 2 : i32
      %mul3A_412 = arith.muli %add3A_337, %mul3A_411 : i32
      %add3A_413 = arith.addi %mul3A_2, %mul3A_412 : i32
      %dma_start3A_414 = arith.constant 1 : i32
      %dma_start3A_415 = arith.constant 0 : i32
      %dma_start3A_416 = arith.constant 0 : i32
      %dma_start3A_417 = arith.constant 0 : i32
      %dma_start3A_418 = tpu.memref_slice %arg6[%dma_start3A_414, %dma_start3A_415, %dma_start3A_416, %dma_start3A_417] : memref<4x2x200x64xf32, #tpu.memory_space<vmem>> -> memref<1x2x200x64xf32, #tpu.memory_space<vmem>>
      %dma_start3A_419 = tpu.memref_squeeze %dma_start3A_418 : memref<1x2x200x64xf32, #tpu.memory_space<vmem>> -> memref<2x200x64xf32, #tpu.memory_space<vmem>>
      %dma_start3A_420 = arith.constant 0 : i32
      %dma_start3A_421 = arith.constant 0 : i32
      %dma_start3A_422 = tpu.memref_slice %arg4[%add3A_413, %dma_start3A_420, %dma_start3A_421] : memref<4096x200x128xf32, #tpu.memory_space<hbm>> -> memref<2x200x64xf32, #tpu.memory_space<hbm>>
      %dma_start3A_423 = arith.constant 0 : i32
      %dma_start3A_424 = arith.constant 0 : i32
      %dma_start3A_425 = tpu.memref_slice %arg4[%add3A_413, %dma_start3A_423, %dma_start3A_424] : memref<4096x200x128xf32, #tpu.memory_space<hbm>> -> memref<2x200x64xf32, #tpu.memory_space<hbm>>
      %dma_start3A_426 = arith.constant 0 : i32
      %dma_start3A_427 = arith.constant 0 : i32
      %dma_start3A_428 = arith.constant 0 : i32
      %dma_start3A_429 = tpu.memref_slice %arg6[%dma_start3A_414, %dma_start3A_426, %dma_start3A_427, %dma_start3A_428] : memref<4x2x200x64xf32, #tpu.memory_space<vmem>> -> memref<1x2x200x64xf32, #tpu.memory_space<vmem>>
      %dma_start3A_430 = tpu.memref_squeeze %dma_start3A_429 : memref<1x2x200x64xf32, #tpu.memory_space<vmem>> -> memref<2x200x64xf32, #tpu.memory_space<vmem>>
      tpu.enqueue_dma source(%dma_start3A_430 : memref<2x200x64xf32, #tpu.memory_space<vmem>>) target(%dma_start3A_425 : memref<2x200x64xf32, #tpu.memory_space<hbm>>) target_semaphore(%arg12 : memref<!tpu.dma_semaphore, #tpu.memory_space<semaphore_mem>>)
      %mul3A_431 = arith.constant 4 : i32
      %mul3A_432 = arith.muli %scan3A_239, %mul3A_431 : i32
      %add3A_433 = arith.constant 2 : i32
      %add3A_434 = arith.addi %mul3A_432, %add3A_433 : i32
      %add3A_435 = arith.constant 4 : i32
      %add3A_436 = arith.addi %add3A_434, %add3A_435 : i32
      %sub3A_437 = arith.constant 1 : i32
      %sub3A_438 = arith.subi %add3A_436, %sub3A_437 : i32
      %lt3A_439 = arith.constant 64 : i32
      %lt3A_440 = arith.cmpi slt, %sub3A_438, %lt3A_439 : i32
      %convert_element_type3A_441 = arith.extui %lt3A_440 : i1 to i32
      %cond3A_442 = arith.constant 0 : i32
      %cond3A_443 = arith.cmpi ne, %convert_element_type3A_441, %cond3A_442 : i32
      scf.if %cond3A_443 {
        %ge3A = arith.constant 1 : i32
        %ge3A_626 = arith.cmpi sge, %add3A_434, %ge3A : i32
        %convert_element_type3A_627 = arith.extui %ge3A_626 : i1 to i32
        %cond3A_628 = arith.constant 0 : i32
        %cond3A_629 = arith.cmpi ne, %convert_element_type3A_627, %cond3A_628 : i32
        scf.if %cond3A_629 {
          %sub3A_698 = arith.constant 1 : i32
          %sub3A_699 = arith.subi %add3A_434, %sub3A_698 : i32
          %mul3A_700 = arith.constant 2 : i32
          %mul3A_701 = arith.muli %sub3A_699, %mul3A_700 : i32
          %add3A_702 = arith.addi %mul3A_2, %mul3A_701 : i32
          %dma_wait3A_703 = arith.constant 1 : i32
          %dma_wait3A_704 = arith.constant 0 : i32
          %dma_wait3A_705 = arith.constant 0 : i32
          %dma_wait3A_706 = arith.constant 0 : i32
          %dma_wait3A_707 = tpu.memref_slice %arg6[%dma_wait3A_703, %dma_wait3A_704, %dma_wait3A_705, %dma_wait3A_706] : memref<4x2x200x64xf32, #tpu.memory_space<vmem>> -> memref<1x2x200x64xf32, #tpu.memory_space<vmem>>
          %dma_wait3A_708 = tpu.memref_squeeze %dma_wait3A_707 : memref<1x2x200x64xf32, #tpu.memory_space<vmem>> -> memref<2x200x64xf32, #tpu.memory_space<vmem>>
          %dma_wait3A_709 = arith.constant 0 : i32
          %dma_wait3A_710 = arith.constant 0 : i32
          %dma_wait3A_711 = tpu.memref_slice %arg4[%add3A_702, %dma_wait3A_709, %dma_wait3A_710] : memref<4096x200x128xf32, #tpu.memory_space<hbm>> -> memref<2x200x64xf32, #tpu.memory_space<hbm>>
          %dma_wait3A_712 = arith.constant 0 : i32
          %dma_wait3A_713 = arith.constant 0 : i32
          %dma_wait3A_714 = tpu.memref_slice %arg4[%add3A_702, %dma_wait3A_712, %dma_wait3A_713] : memref<4096x200x128xf32, #tpu.memory_space<hbm>> -> memref<2x200x64xf32, #tpu.memory_space<hbm>>
          %dma_wait3A_715 = arith.constant 0 : i32
          %dma_wait3A_716 = arith.constant 0 : i32
          %dma_wait3A_717 = arith.constant 0 : i32
          %dma_wait3A_718 = tpu.memref_slice %arg6[%dma_wait3A_703, %dma_wait3A_715, %dma_wait3A_716, %dma_wait3A_717] : memref<4x2x200x64xf32, #tpu.memory_space<vmem>> -> memref<1x2x200x64xf32, #tpu.memory_space<vmem>>
          %dma_wait3A_719 = tpu.memref_squeeze %dma_wait3A_718 : memref<1x2x200x64xf32, #tpu.memory_space<vmem>> -> memref<2x200x64xf32, #tpu.memory_space<vmem>>
          tpu.wait_dma2 semaphore(%arg12 : memref<!tpu.dma_semaphore, #tpu.memory_space<semaphore_mem>>) src(%dma_wait3A_719 : memref<2x200x64xf32, #tpu.memory_space<vmem>>) dst(%dma_wait3A_714 : memref<2x200x64xf32, #tpu.memory_space<hbm>>)
        } else {
        }
        %add3A_630 = arith.constant 4 : i32
        %add3A_631 = arith.addi %add3A_434, %add3A_630 : i32
        %sub3A_632 = arith.constant 1 : i32
        %sub3A_633 = arith.subi %add3A_631, %sub3A_632 : i32
        %mul3A_634 = arith.constant 2 : i32
        %mul3A_635 = arith.muli %sub3A_633, %mul3A_634 : i32
        %add3A_636 = arith.constant 0 : i32
        %add3A_637 = arith.addi %mul3A_635, %add3A_636 : i32
        %dma_start3A_638 = arith.constant 1 : i32
        %dma_start3A_639 = arith.constant 0 : i32
        %dma_start3A_640 = arith.constant 0 : i32
        %dma_start3A_641 = arith.constant 0 : i32
        %dma_start3A_642 = tpu.memref_slice %arg6[%dma_start3A_638, %dma_start3A_639, %dma_start3A_640, %dma_start3A_641] : memref<4x2x200x64xf32, #tpu.memory_space<vmem>> -> memref<1x1x128x64xf32, #tpu.memory_space<vmem>>
        %dma_start3A_643 = tpu.memref_squeeze %dma_start3A_642 : memref<1x1x128x64xf32, #tpu.memory_space<vmem>> -> memref<128x64xf32, #tpu.memory_space<vmem>>
        %dma_start3A_644 = arith.constant 0 : i32
        %dma_start3A_645 = tpu.memref_slice %arg5[%add3A_637, %dma_start3A_644] : memref<128x200xi32, #tpu.memory_space<vmem>> -> memref<1x128xi32, #tpu.memory_space<vmem>>
        %dma_start3A_646 = tpu.memref_squeeze %dma_start3A_645 : memref<1x128xi32, #tpu.memory_space<vmem>> -> memref<128xi32, #tpu.memory_space<vmem>>
        %dma_start3A_647 = arith.constant 0 : i32
        %dma_start3A_648 = arith.constant 0 : i32
        %dma_start3A_649 = tpu.memref_slice %arg2[%dma_start3A_647, %dma_start3A_648] : memref<100002x64xf32, #tpu.memory_space<hbm>> -> memref<100002x64xf32, #tpu.memory_space<hbm>>
        tpu.enqueue_indirect_dma source(%dma_start3A_649 : memref<100002x64xf32, #tpu.memory_space<hbm>>) target(%dma_start3A_643 : memref<128x64xf32, #tpu.memory_space<vmem>>) offsets(%dma_start3A_646 : memref<128xi32, #tpu.memory_space<vmem>>) semaphore(%arg8 : memref<!tpu.dma_semaphore, #tpu.memory_space<semaphore_mem>>)
        %mul3A_650 = arith.constant 2 : i32
        %mul3A_651 = arith.muli %sub3A_633, %mul3A_650 : i32
        %add3A_652 = arith.constant 0 : i32
        %add3A_653 = arith.addi %mul3A_651, %add3A_652 : i32
        %dma_start3A_654 = arith.constant 1 : i32
        %dma_start3A_655 = arith.constant 0 : i32
        %dma_start3A_656 = arith.constant 128 : i32
        %dma_start3A_657 = arith.constant 0 : i32
        %dma_start3A_658 = tpu.memref_slice %arg6[%dma_start3A_654, %dma_start3A_655, %dma_start3A_656, %dma_start3A_657] : memref<4x2x200x64xf32, #tpu.memory_space<vmem>> -> memref<1x1x72x64xf32, #tpu.memory_space<vmem>>
        %dma_start3A_659 = tpu.memref_squeeze %dma_start3A_658 : memref<1x1x72x64xf32, #tpu.memory_space<vmem>> -> memref<72x64xf32, #tpu.memory_space<vmem>>
        %dma_start3A_660 = arith.constant 128 : i32
        %dma_start3A_661 = tpu.memref_slice %arg5[%add3A_653, %dma_start3A_660] : memref<128x200xi32, #tpu.memory_space<vmem>> -> memref<1x72xi32, #tpu.memory_space<vmem>>
        %dma_start3A_662 = tpu.memref_squeeze %dma_start3A_661 : memref<1x72xi32, #tpu.memory_space<vmem>> -> memref<72xi32, #tpu.memory_space<vmem>>
        %dma_start3A_663 = arith.constant 0 : i32
        %dma_start3A_664 = arith.constant 0 : i32
        %dma_start3A_665 = tpu.memref_slice %arg2[%dma_start3A_663, %dma_start3A_664] : memref<100002x64xf32, #tpu.memory_space<hbm>> -> memref<100002x64xf32, #tpu.memory_space<hbm>>
        tpu.enqueue_indirect_dma source(%dma_start3A_665 : memref<100002x64xf32, #tpu.memory_space<hbm>>) target(%dma_start3A_659 : memref<72x64xf32, #tpu.memory_space<vmem>>) offsets(%dma_start3A_662 : memref<72xi32, #tpu.memory_space<vmem>>) semaphore(%arg8 : memref<!tpu.dma_semaphore, #tpu.memory_space<semaphore_mem>>)
        %mul3A_666 = arith.constant 2 : i32
        %mul3A_667 = arith.muli %sub3A_633, %mul3A_666 : i32
        %add3A_668 = arith.constant 1 : i32
        %add3A_669 = arith.addi %mul3A_667, %add3A_668 : i32
        %dma_start3A_670 = arith.constant 1 : i32
        %dma_start3A_671 = arith.constant 1 : i32
        %dma_start3A_672 = arith.constant 0 : i32
        %dma_start3A_673 = arith.constant 0 : i32
        %dma_start3A_674 = tpu.memref_slice %arg6[%dma_start3A_670, %dma_start3A_671, %dma_start3A_672, %dma_start3A_673] : memref<4x2x200x64xf32, #tpu.memory_space<vmem>> -> memref<1x1x128x64xf32, #tpu.memory_space<vmem>>
        %dma_start3A_675 = tpu.memref_squeeze %dma_start3A_674 : memref<1x1x128x64xf32, #tpu.memory_space<vmem>> -> memref<128x64xf32, #tpu.memory_space<vmem>>
        %dma_start3A_676 = arith.constant 0 : i32
        %dma_start3A_677 = tpu.memref_slice %arg5[%add3A_669, %dma_start3A_676] : memref<128x200xi32, #tpu.memory_space<vmem>> -> memref<1x128xi32, #tpu.memory_space<vmem>>
        %dma_start3A_678 = tpu.memref_squeeze %dma_start3A_677 : memref<1x128xi32, #tpu.memory_space<vmem>> -> memref<128xi32, #tpu.memory_space<vmem>>
        %dma_start3A_679 = arith.constant 0 : i32
        %dma_start3A_680 = arith.constant 0 : i32
        %dma_start3A_681 = tpu.memref_slice %arg2[%dma_start3A_679, %dma_start3A_680] : memref<100002x64xf32, #tpu.memory_space<hbm>> -> memref<100002x64xf32, #tpu.memory_space<hbm>>
        tpu.enqueue_indirect_dma source(%dma_start3A_681 : memref<100002x64xf32, #tpu.memory_space<hbm>>) target(%dma_start3A_675 : memref<128x64xf32, #tpu.memory_space<vmem>>) offsets(%dma_start3A_678 : memref<128xi32, #tpu.memory_space<vmem>>) semaphore(%arg8 : memref<!tpu.dma_semaphore, #tpu.memory_space<semaphore_mem>>)
        %mul3A_682 = arith.constant 2 : i32
        %mul3A_683 = arith.muli %sub3A_633, %mul3A_682 : i32
        %add3A_684 = arith.constant 1 : i32
        %add3A_685 = arith.addi %mul3A_683, %add3A_684 : i32
        %dma_start3A_686 = arith.constant 1 : i32
        %dma_start3A_687 = arith.constant 1 : i32
        %dma_start3A_688 = arith.constant 128 : i32
        %dma_start3A_689 = arith.constant 0 : i32
        %dma_start3A_690 = tpu.memref_slice %arg6[%dma_start3A_686, %dma_start3A_687, %dma_start3A_688, %dma_start3A_689] : memref<4x2x200x64xf32, #tpu.memory_space<vmem>> -> memref<1x1x72x64xf32, #tpu.memory_space<vmem>>
        %dma_start3A_691 = tpu.memref_squeeze %dma_start3A_690 : memref<1x1x72x64xf32, #tpu.memory_space<vmem>> -> memref<72x64xf32, #tpu.memory_space<vmem>>
        %dma_start3A_692 = arith.constant 128 : i32
        %dma_start3A_693 = tpu.memref_slice %arg5[%add3A_685, %dma_start3A_692] : memref<128x200xi32, #tpu.memory_space<vmem>> -> memref<1x72xi32, #tpu.memory_space<vmem>>
        %dma_start3A_694 = tpu.memref_squeeze %dma_start3A_693 : memref<1x72xi32, #tpu.memory_space<vmem>> -> memref<72xi32, #tpu.memory_space<vmem>>
        %dma_start3A_695 = arith.constant 0 : i32
        %dma_start3A_696 = arith.constant 0 : i32
        %dma_start3A_697 = tpu.memref_slice %arg2[%dma_start3A_695, %dma_start3A_696] : memref<100002x64xf32, #tpu.memory_space<hbm>> -> memref<100002x64xf32, #tpu.memory_space<hbm>>
        tpu.enqueue_indirect_dma source(%dma_start3A_697 : memref<100002x64xf32, #tpu.memory_space<hbm>>) target(%dma_start3A_691 : memref<72x64xf32, #tpu.memory_space<vmem>>) offsets(%dma_start3A_694 : memref<72xi32, #tpu.memory_space<vmem>>) semaphore(%arg8 : memref<!tpu.dma_semaphore, #tpu.memory_space<semaphore_mem>>)
      } else {
      }
      %mul3A_444 = arith.constant 2 : i32
      %mul3A_445 = arith.muli %add3A_434, %mul3A_444 : i32
      %add3A_446 = arith.constant 0 : i32
      %add3A_447 = arith.addi %mul3A_445, %add3A_446 : i32
      %dma_wait3A_448 = arith.constant 2 : i32
      %dma_wait3A_449 = arith.constant 0 : i32
      %dma_wait3A_450 = arith.constant 0 : i32
      %dma_wait3A_451 = arith.constant 0 : i32
      %dma_wait3A_452 = tpu.memref_slice %arg6[%dma_wait3A_448, %dma_wait3A_449, %dma_wait3A_450, %dma_wait3A_451] : memref<4x2x200x64xf32, #tpu.memory_space<vmem>> -> memref<1x1x128x64xf32, #tpu.memory_space<vmem>>
      %dma_wait3A_453 = tpu.memref_squeeze %dma_wait3A_452 : memref<1x1x128x64xf32, #tpu.memory_space<vmem>> -> memref<128x64xf32, #tpu.memory_space<vmem>>
      %dma_wait3A_454 = arith.constant 0 : i32
      %dma_wait3A_455 = tpu.memref_slice %arg5[%add3A_447, %dma_wait3A_454] : memref<128x200xi32, #tpu.memory_space<vmem>> -> memref<1x128xi32, #tpu.memory_space<vmem>>
      %dma_wait3A_456 = tpu.memref_squeeze %dma_wait3A_455 : memref<1x128xi32, #tpu.memory_space<vmem>> -> memref<128xi32, #tpu.memory_space<vmem>>
      %dma_wait3A_457 = arith.constant 0 : i32
      %dma_wait3A_458 = arith.constant 0 : i32
      %dma_wait3A_459 = tpu.memref_slice %arg2[%dma_wait3A_457, %dma_wait3A_458] : memref<100002x64xf32, #tpu.memory_space<hbm>> -> memref<100002x64xf32, #tpu.memory_space<hbm>>
      tpu.wait_indirect_dma semaphore(%arg9 : memref<!tpu.dma_semaphore, #tpu.memory_space<semaphore_mem>>) src(%dma_wait3A_459 : memref<100002x64xf32, #tpu.memory_space<hbm>>) dst(%dma_wait3A_453 : memref<128x64xf32, #tpu.memory_space<vmem>>)
      %mul3A_460 = arith.constant 2 : i32
      %mul3A_461 = arith.muli %add3A_434, %mul3A_460 : i32
      %add3A_462 = arith.constant 0 : i32
      %add3A_463 = arith.addi %mul3A_461, %add3A_462 : i32
      %dma_wait3A_464 = arith.constant 2 : i32
      %dma_wait3A_465 = arith.constant 0 : i32
      %dma_wait3A_466 = arith.constant 128 : i32
      %dma_wait3A_467 = arith.constant 0 : i32
      %dma_wait3A_468 = tpu.memref_slice %arg6[%dma_wait3A_464, %dma_wait3A_465, %dma_wait3A_466, %dma_wait3A_467] : memref<4x2x200x64xf32, #tpu.memory_space<vmem>> -> memref<1x1x72x64xf32, #tpu.memory_space<vmem>>
      %dma_wait3A_469 = tpu.memref_squeeze %dma_wait3A_468 : memref<1x1x72x64xf32, #tpu.memory_space<vmem>> -> memref<72x64xf32, #tpu.memory_space<vmem>>
      %dma_wait3A_470 = arith.constant 128 : i32
      %dma_wait3A_471 = tpu.memref_slice %arg5[%add3A_463, %dma_wait3A_470] : memref<128x200xi32, #tpu.memory_space<vmem>> -> memref<1x72xi32, #tpu.memory_space<vmem>>
      %dma_wait3A_472 = tpu.memref_squeeze %dma_wait3A_471 : memref<1x72xi32, #tpu.memory_space<vmem>> -> memref<72xi32, #tpu.memory_space<vmem>>
      %dma_wait3A_473 = arith.constant 0 : i32
      %dma_wait3A_474 = arith.constant 0 : i32
      %dma_wait3A_475 = tpu.memref_slice %arg2[%dma_wait3A_473, %dma_wait3A_474] : memref<100002x64xf32, #tpu.memory_space<hbm>> -> memref<100002x64xf32, #tpu.memory_space<hbm>>
      tpu.wait_indirect_dma semaphore(%arg9 : memref<!tpu.dma_semaphore, #tpu.memory_space<semaphore_mem>>) src(%dma_wait3A_475 : memref<100002x64xf32, #tpu.memory_space<hbm>>) dst(%dma_wait3A_469 : memref<72x64xf32, #tpu.memory_space<vmem>>)
      %mul3A_476 = arith.constant 2 : i32
      %mul3A_477 = arith.muli %add3A_434, %mul3A_476 : i32
      %add3A_478 = arith.constant 1 : i32
      %add3A_479 = arith.addi %mul3A_477, %add3A_478 : i32
      %dma_wait3A_480 = arith.constant 2 : i32
      %dma_wait3A_481 = arith.constant 1 : i32
      %dma_wait3A_482 = arith.constant 0 : i32
      %dma_wait3A_483 = arith.constant 0 : i32
      %dma_wait3A_484 = tpu.memref_slice %arg6[%dma_wait3A_480, %dma_wait3A_481, %dma_wait3A_482, %dma_wait3A_483] : memref<4x2x200x64xf32, #tpu.memory_space<vmem>> -> memref<1x1x128x64xf32, #tpu.memory_space<vmem>>
      %dma_wait3A_485 = tpu.memref_squeeze %dma_wait3A_484 : memref<1x1x128x64xf32, #tpu.memory_space<vmem>> -> memref<128x64xf32, #tpu.memory_space<vmem>>
      %dma_wait3A_486 = arith.constant 0 : i32
      %dma_wait3A_487 = tpu.memref_slice %arg5[%add3A_479, %dma_wait3A_486] : memref<128x200xi32, #tpu.memory_space<vmem>> -> memref<1x128xi32, #tpu.memory_space<vmem>>
      %dma_wait3A_488 = tpu.memref_squeeze %dma_wait3A_487 : memref<1x128xi32, #tpu.memory_space<vmem>> -> memref<128xi32, #tpu.memory_space<vmem>>
      %dma_wait3A_489 = arith.constant 0 : i32
      %dma_wait3A_490 = arith.constant 0 : i32
      %dma_wait3A_491 = tpu.memref_slice %arg2[%dma_wait3A_489, %dma_wait3A_490] : memref<100002x64xf32, #tpu.memory_space<hbm>> -> memref<100002x64xf32, #tpu.memory_space<hbm>>
      tpu.wait_indirect_dma semaphore(%arg9 : memref<!tpu.dma_semaphore, #tpu.memory_space<semaphore_mem>>) src(%dma_wait3A_491 : memref<100002x64xf32, #tpu.memory_space<hbm>>) dst(%dma_wait3A_485 : memref<128x64xf32, #tpu.memory_space<vmem>>)
      %mul3A_492 = arith.constant 2 : i32
      %mul3A_493 = arith.muli %add3A_434, %mul3A_492 : i32
      %add3A_494 = arith.constant 1 : i32
      %add3A_495 = arith.addi %mul3A_493, %add3A_494 : i32
      %dma_wait3A_496 = arith.constant 2 : i32
      %dma_wait3A_497 = arith.constant 1 : i32
      %dma_wait3A_498 = arith.constant 128 : i32
      %dma_wait3A_499 = arith.constant 0 : i32
      %dma_wait3A_500 = tpu.memref_slice %arg6[%dma_wait3A_496, %dma_wait3A_497, %dma_wait3A_498, %dma_wait3A_499] : memref<4x2x200x64xf32, #tpu.memory_space<vmem>> -> memref<1x1x72x64xf32, #tpu.memory_space<vmem>>
      %dma_wait3A_501 = tpu.memref_squeeze %dma_wait3A_500 : memref<1x1x72x64xf32, #tpu.memory_space<vmem>> -> memref<72x64xf32, #tpu.memory_space<vmem>>
      %dma_wait3A_502 = arith.constant 128 : i32
      %dma_wait3A_503 = tpu.memref_slice %arg5[%add3A_495, %dma_wait3A_502] : memref<128x200xi32, #tpu.memory_space<vmem>> -> memref<1x72xi32, #tpu.memory_space<vmem>>
      %dma_wait3A_504 = tpu.memref_squeeze %dma_wait3A_503 : memref<1x72xi32, #tpu.memory_space<vmem>> -> memref<72xi32, #tpu.memory_space<vmem>>
      %dma_wait3A_505 = arith.constant 0 : i32
      %dma_wait3A_506 = arith.constant 0 : i32
      %dma_wait3A_507 = tpu.memref_slice %arg2[%dma_wait3A_505, %dma_wait3A_506] : memref<100002x64xf32, #tpu.memory_space<hbm>> -> memref<100002x64xf32, #tpu.memory_space<hbm>>
      tpu.wait_indirect_dma semaphore(%arg9 : memref<!tpu.dma_semaphore, #tpu.memory_space<semaphore_mem>>) src(%dma_wait3A_507 : memref<100002x64xf32, #tpu.memory_space<hbm>>) dst(%dma_wait3A_501 : memref<72x64xf32, #tpu.memory_space<vmem>>)
      %mul3A_508 = arith.constant 2 : i32
      %mul3A_509 = arith.muli %add3A_434, %mul3A_508 : i32
      %add3A_510 = arith.addi %mul3A_2, %mul3A_509 : i32
      %dma_start3A_511 = arith.constant 2 : i32
      %dma_start3A_512 = arith.constant 0 : i32
      %dma_start3A_513 = arith.constant 0 : i32
      %dma_start3A_514 = arith.constant 0 : i32
      %dma_start3A_515 = tpu.memref_slice %arg6[%dma_start3A_511, %dma_start3A_512, %dma_start3A_513, %dma_start3A_514] : memref<4x2x200x64xf32, #tpu.memory_space<vmem>> -> memref<1x2x200x64xf32, #tpu.memory_space<vmem>>
      %dma_start3A_516 = tpu.memref_squeeze %dma_start3A_515 : memref<1x2x200x64xf32, #tpu.memory_space<vmem>> -> memref<2x200x64xf32, #tpu.memory_space<vmem>>
      %dma_start3A_517 = arith.constant 0 : i32
      %dma_start3A_518 = arith.constant 0 : i32
      %dma_start3A_519 = tpu.memref_slice %arg4[%add3A_510, %dma_start3A_517, %dma_start3A_518] : memref<4096x200x128xf32, #tpu.memory_space<hbm>> -> memref<2x200x64xf32, #tpu.memory_space<hbm>>
      %dma_start3A_520 = arith.constant 0 : i32
      %dma_start3A_521 = arith.constant 0 : i32
      %dma_start3A_522 = tpu.memref_slice %arg4[%add3A_510, %dma_start3A_520, %dma_start3A_521] : memref<4096x200x128xf32, #tpu.memory_space<hbm>> -> memref<2x200x64xf32, #tpu.memory_space<hbm>>
      %dma_start3A_523 = arith.constant 0 : i32
      %dma_start3A_524 = arith.constant 0 : i32
      %dma_start3A_525 = arith.constant 0 : i32
      %dma_start3A_526 = tpu.memref_slice %arg6[%dma_start3A_511, %dma_start3A_523, %dma_start3A_524, %dma_start3A_525] : memref<4x2x200x64xf32, #tpu.memory_space<vmem>> -> memref<1x2x200x64xf32, #tpu.memory_space<vmem>>
      %dma_start3A_527 = tpu.memref_squeeze %dma_start3A_526 : memref<1x2x200x64xf32, #tpu.memory_space<vmem>> -> memref<2x200x64xf32, #tpu.memory_space<vmem>>
      tpu.enqueue_dma source(%dma_start3A_527 : memref<2x200x64xf32, #tpu.memory_space<vmem>>) target(%dma_start3A_522 : memref<2x200x64xf32, #tpu.memory_space<hbm>>) target_semaphore(%arg13 : memref<!tpu.dma_semaphore, #tpu.memory_space<semaphore_mem>>)
      %mul3A_528 = arith.constant 4 : i32
      %mul3A_529 = arith.muli %scan3A_239, %mul3A_528 : i32
      %add3A_530 = arith.constant 3 : i32
      %add3A_531 = arith.addi %mul3A_529, %add3A_530 : i32
      %add3A_532 = arith.constant 4 : i32
      %add3A_533 = arith.addi %add3A_531, %add3A_532 : i32
      %sub3A_534 = arith.constant 1 : i32
      %sub3A_535 = arith.subi %add3A_533, %sub3A_534 : i32
      %lt3A_536 = arith.constant 64 : i32
      %lt3A_537 = arith.cmpi slt, %sub3A_535, %lt3A_536 : i32
      %convert_element_type3A_538 = arith.extui %lt3A_537 : i1 to i32
      %cond3A_539 = arith.constant 0 : i32
      %cond3A_540 = arith.cmpi ne, %convert_element_type3A_538, %cond3A_539 : i32
      scf.if %cond3A_540 {
        %ge3A = arith.constant 1 : i32
        %ge3A_626 = arith.cmpi sge, %add3A_531, %ge3A : i32
        %convert_element_type3A_627 = arith.extui %ge3A_626 : i1 to i32
        %cond3A_628 = arith.constant 0 : i32
        %cond3A_629 = arith.cmpi ne, %convert_element_type3A_627, %cond3A_628 : i32
        scf.if %cond3A_629 {
          %sub3A_698 = arith.constant 1 : i32
          %sub3A_699 = arith.subi %add3A_531, %sub3A_698 : i32
          %mul3A_700 = arith.constant 2 : i32
          %mul3A_701 = arith.muli %sub3A_699, %mul3A_700 : i32
          %add3A_702 = arith.addi %mul3A_2, %mul3A_701 : i32
          %dma_wait3A_703 = arith.constant 2 : i32
          %dma_wait3A_704 = arith.constant 0 : i32
          %dma_wait3A_705 = arith.constant 0 : i32
          %dma_wait3A_706 = arith.constant 0 : i32
          %dma_wait3A_707 = tpu.memref_slice %arg6[%dma_wait3A_703, %dma_wait3A_704, %dma_wait3A_705, %dma_wait3A_706] : memref<4x2x200x64xf32, #tpu.memory_space<vmem>> -> memref<1x2x200x64xf32, #tpu.memory_space<vmem>>
          %dma_wait3A_708 = tpu.memref_squeeze %dma_wait3A_707 : memref<1x2x200x64xf32, #tpu.memory_space<vmem>> -> memref<2x200x64xf32, #tpu.memory_space<vmem>>
          %dma_wait3A_709 = arith.constant 0 : i32
          %dma_wait3A_710 = arith.constant 0 : i32
          %dma_wait3A_711 = tpu.memref_slice %arg4[%add3A_702, %dma_wait3A_709, %dma_wait3A_710] : memref<4096x200x128xf32, #tpu.memory_space<hbm>> -> memref<2x200x64xf32, #tpu.memory_space<hbm>>
          %dma_wait3A_712 = arith.constant 0 : i32
          %dma_wait3A_713 = arith.constant 0 : i32
          %dma_wait3A_714 = tpu.memref_slice %arg4[%add3A_702, %dma_wait3A_712, %dma_wait3A_713] : memref<4096x200x128xf32, #tpu.memory_space<hbm>> -> memref<2x200x64xf32, #tpu.memory_space<hbm>>
          %dma_wait3A_715 = arith.constant 0 : i32
          %dma_wait3A_716 = arith.constant 0 : i32
          %dma_wait3A_717 = arith.constant 0 : i32
          %dma_wait3A_718 = tpu.memref_slice %arg6[%dma_wait3A_703, %dma_wait3A_715, %dma_wait3A_716, %dma_wait3A_717] : memref<4x2x200x64xf32, #tpu.memory_space<vmem>> -> memref<1x2x200x64xf32, #tpu.memory_space<vmem>>
          %dma_wait3A_719 = tpu.memref_squeeze %dma_wait3A_718 : memref<1x2x200x64xf32, #tpu.memory_space<vmem>> -> memref<2x200x64xf32, #tpu.memory_space<vmem>>
          tpu.wait_dma2 semaphore(%arg13 : memref<!tpu.dma_semaphore, #tpu.memory_space<semaphore_mem>>) src(%dma_wait3A_719 : memref<2x200x64xf32, #tpu.memory_space<vmem>>) dst(%dma_wait3A_714 : memref<2x200x64xf32, #tpu.memory_space<hbm>>)
        } else {
        }
        %add3A_630 = arith.constant 4 : i32
        %add3A_631 = arith.addi %add3A_531, %add3A_630 : i32
        %sub3A_632 = arith.constant 1 : i32
        %sub3A_633 = arith.subi %add3A_631, %sub3A_632 : i32
        %mul3A_634 = arith.constant 2 : i32
        %mul3A_635 = arith.muli %sub3A_633, %mul3A_634 : i32
        %add3A_636 = arith.constant 0 : i32
        %add3A_637 = arith.addi %mul3A_635, %add3A_636 : i32
        %dma_start3A_638 = arith.constant 2 : i32
        %dma_start3A_639 = arith.constant 0 : i32
        %dma_start3A_640 = arith.constant 0 : i32
        %dma_start3A_641 = arith.constant 0 : i32
        %dma_start3A_642 = tpu.memref_slice %arg6[%dma_start3A_638, %dma_start3A_639, %dma_start3A_640, %dma_start3A_641] : memref<4x2x200x64xf32, #tpu.memory_space<vmem>> -> memref<1x1x128x64xf32, #tpu.memory_space<vmem>>
        %dma_start3A_643 = tpu.memref_squeeze %dma_start3A_642 : memref<1x1x128x64xf32, #tpu.memory_space<vmem>> -> memref<128x64xf32, #tpu.memory_space<vmem>>
        %dma_start3A_644 = arith.constant 0 : i32
        %dma_start3A_645 = tpu.memref_slice %arg5[%add3A_637, %dma_start3A_644] : memref<128x200xi32, #tpu.memory_space<vmem>> -> memref<1x128xi32, #tpu.memory_space<vmem>>
        %dma_start3A_646 = tpu.memref_squeeze %dma_start3A_645 : memref<1x128xi32, #tpu.memory_space<vmem>> -> memref<128xi32, #tpu.memory_space<vmem>>
        %dma_start3A_647 = arith.constant 0 : i32
        %dma_start3A_648 = arith.constant 0 : i32
        %dma_start3A_649 = tpu.memref_slice %arg2[%dma_start3A_647, %dma_start3A_648] : memref<100002x64xf32, #tpu.memory_space<hbm>> -> memref<100002x64xf32, #tpu.memory_space<hbm>>
        tpu.enqueue_indirect_dma source(%dma_start3A_649 : memref<100002x64xf32, #tpu.memory_space<hbm>>) target(%dma_start3A_643 : memref<128x64xf32, #tpu.memory_space<vmem>>) offsets(%dma_start3A_646 : memref<128xi32, #tpu.memory_space<vmem>>) semaphore(%arg9 : memref<!tpu.dma_semaphore, #tpu.memory_space<semaphore_mem>>)
        %mul3A_650 = arith.constant 2 : i32
        %mul3A_651 = arith.muli %sub3A_633, %mul3A_650 : i32
        %add3A_652 = arith.constant 0 : i32
        %add3A_653 = arith.addi %mul3A_651, %add3A_652 : i32
        %dma_start3A_654 = arith.constant 2 : i32
        %dma_start3A_655 = arith.constant 0 : i32
        %dma_start3A_656 = arith.constant 128 : i32
        %dma_start3A_657 = arith.constant 0 : i32
        %dma_start3A_658 = tpu.memref_slice %arg6[%dma_start3A_654, %dma_start3A_655, %dma_start3A_656, %dma_start3A_657] : memref<4x2x200x64xf32, #tpu.memory_space<vmem>> -> memref<1x1x72x64xf32, #tpu.memory_space<vmem>>
        %dma_start3A_659 = tpu.memref_squeeze %dma_start3A_658 : memref<1x1x72x64xf32, #tpu.memory_space<vmem>> -> memref<72x64xf32, #tpu.memory_space<vmem>>
        %dma_start3A_660 = arith.constant 128 : i32
        %dma_start3A_661 = tpu.memref_slice %arg5[%add3A_653, %dma_start3A_660] : memref<128x200xi32, #tpu.memory_space<vmem>> -> memref<1x72xi32, #tpu.memory_space<vmem>>
        %dma_start3A_662 = tpu.memref_squeeze %dma_start3A_661 : memref<1x72xi32, #tpu.memory_space<vmem>> -> memref<72xi32, #tpu.memory_space<vmem>>
        %dma_start3A_663 = arith.constant 0 : i32
        %dma_start3A_664 = arith.constant 0 : i32
        %dma_start3A_665 = tpu.memref_slice %arg2[%dma_start3A_663, %dma_start3A_664] : memref<100002x64xf32, #tpu.memory_space<hbm>> -> memref<100002x64xf32, #tpu.memory_space<hbm>>
        tpu.enqueue_indirect_dma source(%dma_start3A_665 : memref<100002x64xf32, #tpu.memory_space<hbm>>) target(%dma_start3A_659 : memref<72x64xf32, #tpu.memory_space<vmem>>) offsets(%dma_start3A_662 : memref<72xi32, #tpu.memory_space<vmem>>) semaphore(%arg9 : memref<!tpu.dma_semaphore, #tpu.memory_space<semaphore_mem>>)
        %mul3A_666 = arith.constant 2 : i32
        %mul3A_667 = arith.muli %sub3A_633, %mul3A_666 : i32
        %add3A_668 = arith.constant 1 : i32
        %add3A_669 = arith.addi %mul3A_667, %add3A_668 : i32
        %dma_start3A_670 = arith.constant 2 : i32
        %dma_start3A_671 = arith.constant 1 : i32
        %dma_start3A_672 = arith.constant 0 : i32
        %dma_start3A_673 = arith.constant 0 : i32
        %dma_start3A_674 = tpu.memref_slice %arg6[%dma_start3A_670, %dma_start3A_671, %dma_start3A_672, %dma_start3A_673] : memref<4x2x200x64xf32, #tpu.memory_space<vmem>> -> memref<1x1x128x64xf32, #tpu.memory_space<vmem>>
        %dma_start3A_675 = tpu.memref_squeeze %dma_start3A_674 : memref<1x1x128x64xf32, #tpu.memory_space<vmem>> -> memref<128x64xf32, #tpu.memory_space<vmem>>
        %dma_start3A_676 = arith.constant 0 : i32
        %dma_start3A_677 = tpu.memref_slice %arg5[%add3A_669, %dma_start3A_676] : memref<128x200xi32, #tpu.memory_space<vmem>> -> memref<1x128xi32, #tpu.memory_space<vmem>>
        %dma_start3A_678 = tpu.memref_squeeze %dma_start3A_677 : memref<1x128xi32, #tpu.memory_space<vmem>> -> memref<128xi32, #tpu.memory_space<vmem>>
        %dma_start3A_679 = arith.constant 0 : i32
        %dma_start3A_680 = arith.constant 0 : i32
        %dma_start3A_681 = tpu.memref_slice %arg2[%dma_start3A_679, %dma_start3A_680] : memref<100002x64xf32, #tpu.memory_space<hbm>> -> memref<100002x64xf32, #tpu.memory_space<hbm>>
        tpu.enqueue_indirect_dma source(%dma_start3A_681 : memref<100002x64xf32, #tpu.memory_space<hbm>>) target(%dma_start3A_675 : memref<128x64xf32, #tpu.memory_space<vmem>>) offsets(%dma_start3A_678 : memref<128xi32, #tpu.memory_space<vmem>>) semaphore(%arg9 : memref<!tpu.dma_semaphore, #tpu.memory_space<semaphore_mem>>)
        %mul3A_682 = arith.constant 2 : i32
        %mul3A_683 = arith.muli %sub3A_633, %mul3A_682 : i32
        %add3A_684 = arith.constant 1 : i32
        %add3A_685 = arith.addi %mul3A_683, %add3A_684 : i32
        %dma_start3A_686 = arith.constant 2 : i32
        %dma_start3A_687 = arith.constant 1 : i32
        %dma_start3A_688 = arith.constant 128 : i32
        %dma_start3A_689 = arith.constant 0 : i32
        %dma_start3A_690 = tpu.memref_slice %arg6[%dma_start3A_686, %dma_start3A_687, %dma_start3A_688, %dma_start3A_689] : memref<4x2x200x64xf32, #tpu.memory_space<vmem>> -> memref<1x1x72x64xf32, #tpu.memory_space<vmem>>
        %dma_start3A_691 = tpu.memref_squeeze %dma_start3A_690 : memref<1x1x72x64xf32, #tpu.memory_space<vmem>> -> memref<72x64xf32, #tpu.memory_space<vmem>>
        %dma_start3A_692 = arith.constant 128 : i32
        %dma_start3A_693 = tpu.memref_slice %arg5[%add3A_685, %dma_start3A_692] : memref<128x200xi32, #tpu.memory_space<vmem>> -> memref<1x72xi32, #tpu.memory_space<vmem>>
        %dma_start3A_694 = tpu.memref_squeeze %dma_start3A_693 : memref<1x72xi32, #tpu.memory_space<vmem>> -> memref<72xi32, #tpu.memory_space<vmem>>
        %dma_start3A_695 = arith.constant 0 : i32
        %dma_start3A_696 = arith.constant 0 : i32
        %dma_start3A_697 = tpu.memref_slice %arg2[%dma_start3A_695, %dma_start3A_696] : memref<100002x64xf32, #tpu.memory_space<hbm>> -> memref<100002x64xf32, #tpu.memory_space<hbm>>
        tpu.enqueue_indirect_dma source(%dma_start3A_697 : memref<100002x64xf32, #tpu.memory_space<hbm>>) target(%dma_start3A_691 : memref<72x64xf32, #tpu.memory_space<vmem>>) offsets(%dma_start3A_694 : memref<72xi32, #tpu.memory_space<vmem>>) semaphore(%arg9 : memref<!tpu.dma_semaphore, #tpu.memory_space<semaphore_mem>>)
      } else {
      }
      %mul3A_541 = arith.constant 2 : i32
      %mul3A_542 = arith.muli %add3A_531, %mul3A_541 : i32
      %add3A_543 = arith.constant 0 : i32
      %add3A_544 = arith.addi %mul3A_542, %add3A_543 : i32
      %dma_wait3A_545 = arith.constant 3 : i32
      %dma_wait3A_546 = arith.constant 0 : i32
      %dma_wait3A_547 = arith.constant 0 : i32
      %dma_wait3A_548 = arith.constant 0 : i32
      %dma_wait3A_549 = tpu.memref_slice %arg6[%dma_wait3A_545, %dma_wait3A_546, %dma_wait3A_547, %dma_wait3A_548] : memref<4x2x200x64xf32, #tpu.memory_space<vmem>> -> memref<1x1x128x64xf32, #tpu.memory_space<vmem>>
      %dma_wait3A_550 = tpu.memref_squeeze %dma_wait3A_549 : memref<1x1x128x64xf32, #tpu.memory_space<vmem>> -> memref<128x64xf32, #tpu.memory_space<vmem>>
      %dma_wait3A_551 = arith.constant 0 : i32
      %dma_wait3A_552 = tpu.memref_slice %arg5[%add3A_544, %dma_wait3A_551] : memref<128x200xi32, #tpu.memory_space<vmem>> -> memref<1x128xi32, #tpu.memory_space<vmem>>
      %dma_wait3A_553 = tpu.memref_squeeze %dma_wait3A_552 : memref<1x128xi32, #tpu.memory_space<vmem>> -> memref<128xi32, #tpu.memory_space<vmem>>
      %dma_wait3A_554 = arith.constant 0 : i32
      %dma_wait3A_555 = arith.constant 0 : i32
      %dma_wait3A_556 = tpu.memref_slice %arg2[%dma_wait3A_554, %dma_wait3A_555] : memref<100002x64xf32, #tpu.memory_space<hbm>> -> memref<100002x64xf32, #tpu.memory_space<hbm>>
      tpu.wait_indirect_dma semaphore(%arg10 : memref<!tpu.dma_semaphore, #tpu.memory_space<semaphore_mem>>) src(%dma_wait3A_556 : memref<100002x64xf32, #tpu.memory_space<hbm>>) dst(%dma_wait3A_550 : memref<128x64xf32, #tpu.memory_space<vmem>>)
      %mul3A_557 = arith.constant 2 : i32
      %mul3A_558 = arith.muli %add3A_531, %mul3A_557 : i32
      %add3A_559 = arith.constant 0 : i32
      %add3A_560 = arith.addi %mul3A_558, %add3A_559 : i32
      %dma_wait3A_561 = arith.constant 3 : i32
      %dma_wait3A_562 = arith.constant 0 : i32
      %dma_wait3A_563 = arith.constant 128 : i32
      %dma_wait3A_564 = arith.constant 0 : i32
      %dma_wait3A_565 = tpu.memref_slice %arg6[%dma_wait3A_561, %dma_wait3A_562, %dma_wait3A_563, %dma_wait3A_564] : memref<4x2x200x64xf32, #tpu.memory_space<vmem>> -> memref<1x1x72x64xf32, #tpu.memory_space<vmem>>
      %dma_wait3A_566 = tpu.memref_squeeze %dma_wait3A_565 : memref<1x1x72x64xf32, #tpu.memory_space<vmem>> -> memref<72x64xf32, #tpu.memory_space<vmem>>
      %dma_wait3A_567 = arith.constant 128 : i32
      %dma_wait3A_568 = tpu.memref_slice %arg5[%add3A_560, %dma_wait3A_567] : memref<128x200xi32, #tpu.memory_space<vmem>> -> memref<1x72xi32, #tpu.memory_space<vmem>>
      %dma_wait3A_569 = tpu.memref_squeeze %dma_wait3A_568 : memref<1x72xi32, #tpu.memory_space<vmem>> -> memref<72xi32, #tpu.memory_space<vmem>>
      %dma_wait3A_570 = arith.constant 0 : i32
      %dma_wait3A_571 = arith.constant 0 : i32
      %dma_wait3A_572 = tpu.memref_slice %arg2[%dma_wait3A_570, %dma_wait3A_571] : memref<100002x64xf32, #tpu.memory_space<hbm>> -> memref<100002x64xf32, #tpu.memory_space<hbm>>
      tpu.wait_indirect_dma semaphore(%arg10 : memref<!tpu.dma_semaphore, #tpu.memory_space<semaphore_mem>>) src(%dma_wait3A_572 : memref<100002x64xf32, #tpu.memory_space<hbm>>) dst(%dma_wait3A_566 : memref<72x64xf32, #tpu.memory_space<vmem>>)
      %mul3A_573 = arith.constant 2 : i32
      %mul3A_574 = arith.muli %add3A_531, %mul3A_573 : i32
      %add3A_575 = arith.constant 1 : i32
      %add3A_576 = arith.addi %mul3A_574, %add3A_575 : i32
      %dma_wait3A_577 = arith.constant 3 : i32
      %dma_wait3A_578 = arith.constant 1 : i32
      %dma_wait3A_579 = arith.constant 0 : i32
      %dma_wait3A_580 = arith.constant 0 : i32
      %dma_wait3A_581 = tpu.memref_slice %arg6[%dma_wait3A_577, %dma_wait3A_578, %dma_wait3A_579, %dma_wait3A_580] : memref<4x2x200x64xf32, #tpu.memory_space<vmem>> -> memref<1x1x128x64xf32, #tpu.memory_space<vmem>>
      %dma_wait3A_582 = tpu.memref_squeeze %dma_wait3A_581 : memref<1x1x128x64xf32, #tpu.memory_space<vmem>> -> memref<128x64xf32, #tpu.memory_space<vmem>>
      %dma_wait3A_583 = arith.constant 0 : i32
      %dma_wait3A_584 = tpu.memref_slice %arg5[%add3A_576, %dma_wait3A_583] : memref<128x200xi32, #tpu.memory_space<vmem>> -> memref<1x128xi32, #tpu.memory_space<vmem>>
      %dma_wait3A_585 = tpu.memref_squeeze %dma_wait3A_584 : memref<1x128xi32, #tpu.memory_space<vmem>> -> memref<128xi32, #tpu.memory_space<vmem>>
      %dma_wait3A_586 = arith.constant 0 : i32
      %dma_wait3A_587 = arith.constant 0 : i32
      %dma_wait3A_588 = tpu.memref_slice %arg2[%dma_wait3A_586, %dma_wait3A_587] : memref<100002x64xf32, #tpu.memory_space<hbm>> -> memref<100002x64xf32, #tpu.memory_space<hbm>>
      tpu.wait_indirect_dma semaphore(%arg10 : memref<!tpu.dma_semaphore, #tpu.memory_space<semaphore_mem>>) src(%dma_wait3A_588 : memref<100002x64xf32, #tpu.memory_space<hbm>>) dst(%dma_wait3A_582 : memref<128x64xf32, #tpu.memory_space<vmem>>)
      %mul3A_589 = arith.constant 2 : i32
      %mul3A_590 = arith.muli %add3A_531, %mul3A_589 : i32
      %add3A_591 = arith.constant 1 : i32
      %add3A_592 = arith.addi %mul3A_590, %add3A_591 : i32
      %dma_wait3A_593 = arith.constant 3 : i32
      %dma_wait3A_594 = arith.constant 1 : i32
      %dma_wait3A_595 = arith.constant 128 : i32
      %dma_wait3A_596 = arith.constant 0 : i32
      %dma_wait3A_597 = tpu.memref_slice %arg6[%dma_wait3A_593, %dma_wait3A_594, %dma_wait3A_595, %dma_wait3A_596] : memref<4x2x200x64xf32, #tpu.memory_space<vmem>> -> memref<1x1x72x64xf32, #tpu.memory_space<vmem>>
      %dma_wait3A_598 = tpu.memref_squeeze %dma_wait3A_597 : memref<1x1x72x64xf32, #tpu.memory_space<vmem>> -> memref<72x64xf32, #tpu.memory_space<vmem>>
      %dma_wait3A_599 = arith.constant 128 : i32
      %dma_wait3A_600 = tpu.memref_slice %arg5[%add3A_592, %dma_wait3A_599] : memref<128x200xi32, #tpu.memory_space<vmem>> -> memref<1x72xi32, #tpu.memory_space<vmem>>
      %dma_wait3A_601 = tpu.memref_squeeze %dma_wait3A_600 : memref<1x72xi32, #tpu.memory_space<vmem>> -> memref<72xi32, #tpu.memory_space<vmem>>
      %dma_wait3A_602 = arith.constant 0 : i32
      %dma_wait3A_603 = arith.constant 0 : i32
      %dma_wait3A_604 = tpu.memref_slice %arg2[%dma_wait3A_602, %dma_wait3A_603] : memref<100002x64xf32, #tpu.memory_space<hbm>> -> memref<100002x64xf32, #tpu.memory_space<hbm>>
      tpu.wait_indirect_dma semaphore(%arg10 : memref<!tpu.dma_semaphore, #tpu.memory_space<semaphore_mem>>) src(%dma_wait3A_604 : memref<100002x64xf32, #tpu.memory_space<hbm>>) dst(%dma_wait3A_598 : memref<72x64xf32, #tpu.memory_space<vmem>>)
      %mul3A_605 = arith.constant 2 : i32
      %mul3A_606 = arith.muli %add3A_531, %mul3A_605 : i32
      %add3A_607 = arith.addi %mul3A_2, %mul3A_606 : i32
      %dma_start3A_608 = arith.constant 3 : i32
      %dma_start3A_609 = arith.constant 0 : i32
      %dma_start3A_610 = arith.constant 0 : i32
      %dma_start3A_611 = arith.constant 0 : i32
      %dma_start3A_612 = tpu.memref_slice %arg6[%dma_start3A_608, %dma_start3A_609, %dma_start3A_610, %dma_start3A_611] : memref<4x2x200x64xf32, #tpu.memory_space<vmem>> -> memref<1x2x200x64xf32, #tpu.memory_space<vmem>>
      %dma_start3A_613 = tpu.memref_squeeze %dma_start3A_612 : memref<1x2x200x64xf32, #tpu.memory_space<vmem>> -> memref<2x200x64xf32, #tpu.memory_space<vmem>>
      %dma_start3A_614 = arith.constant 0 : i32
      %dma_start3A_615 = arith.constant 0 : i32
      %dma_start3A_616 = tpu.memref_slice %arg4[%add3A_607, %dma_start3A_614, %dma_start3A_615] : memref<4096x200x128xf32, #tpu.memory_space<hbm>> -> memref<2x200x64xf32, #tpu.memory_space<hbm>>
      %dma_start3A_617 = arith.constant 0 : i32
      %dma_start3A_618 = arith.constant 0 : i32
      %dma_start3A_619 = tpu.memref_slice %arg4[%add3A_607, %dma_start3A_617, %dma_start3A_618] : memref<4096x200x128xf32, #tpu.memory_space<hbm>> -> memref<2x200x64xf32, #tpu.memory_space<hbm>>
      %dma_start3A_620 = arith.constant 0 : i32
      %dma_start3A_621 = arith.constant 0 : i32
      %dma_start3A_622 = arith.constant 0 : i32
      %dma_start3A_623 = tpu.memref_slice %arg6[%dma_start3A_608, %dma_start3A_620, %dma_start3A_621, %dma_start3A_622] : memref<4x2x200x64xf32, #tpu.memory_space<vmem>> -> memref<1x2x200x64xf32, #tpu.memory_space<vmem>>
      %dma_start3A_624 = tpu.memref_squeeze %dma_start3A_623 : memref<1x2x200x64xf32, #tpu.memory_space<vmem>> -> memref<2x200x64xf32, #tpu.memory_space<vmem>>
      tpu.enqueue_dma source(%dma_start3A_624 : memref<2x200x64xf32, #tpu.memory_space<vmem>>) target(%dma_start3A_619 : memref<2x200x64xf32, #tpu.memory_space<hbm>>) target_semaphore(%arg14 : memref<!tpu.dma_semaphore, #tpu.memory_space<semaphore_mem>>)
      %scan3A_625 = arith.constant 0 : i32
      scf.yield %scan3A_625 : i32
    }
    %scan3A_163 = arith.constant 16 : i32
    %add3A_164 = arith.constant 120 : i32
    %add3A_165 = arith.addi %mul3A_2, %add3A_164 : i32
    %dma_wait3A = arith.constant 0 : i32
    %dma_wait3A_166 = arith.constant 0 : i32
    %dma_wait3A_167 = arith.constant 0 : i32
    %dma_wait3A_168 = arith.constant 0 : i32
    %dma_wait3A_169 = tpu.memref_slice %arg6[%dma_wait3A, %dma_wait3A_166, %dma_wait3A_167, %dma_wait3A_168] : memref<4x2x200x64xf32, #tpu.memory_space<vmem>> -> memref<1x2x200x64xf32, #tpu.memory_space<vmem>>
    %dma_wait3A_170 = tpu.memref_squeeze %dma_wait3A_169 : memref<1x2x200x64xf32, #tpu.memory_space<vmem>> -> memref<2x200x64xf32, #tpu.memory_space<vmem>>
    %dma_wait3A_171 = arith.constant 0 : i32
    %dma_wait3A_172 = arith.constant 0 : i32
    %dma_wait3A_173 = tpu.memref_slice %arg4[%add3A_165, %dma_wait3A_171, %dma_wait3A_172] : memref<4096x200x128xf32, #tpu.memory_space<hbm>> -> memref<2x200x64xf32, #tpu.memory_space<hbm>>
    %dma_wait3A_174 = arith.constant 0 : i32
    %dma_wait3A_175 = arith.constant 0 : i32
    %dma_wait3A_176 = tpu.memref_slice %arg4[%add3A_165, %dma_wait3A_174, %dma_wait3A_175] : memref<4096x200x128xf32, #tpu.memory_space<hbm>> -> memref<2x200x64xf32, #tpu.memory_space<hbm>>
    %dma_wait3A_177 = arith.constant 0 : i32
    %dma_wait3A_178 = arith.constant 0 : i32
    %dma_wait3A_179 = arith.constant 0 : i32
    %dma_wait3A_180 = tpu.memref_slice %arg6[%dma_wait3A, %dma_wait3A_177, %dma_wait3A_178, %dma_wait3A_179] : memref<4x2x200x64xf32, #tpu.memory_space<vmem>> -> memref<1x2x200x64xf32, #tpu.memory_space<vmem>>
    %dma_wait3A_181 = tpu.memref_squeeze %dma_wait3A_180 : memref<1x2x200x64xf32, #tpu.memory_space<vmem>> -> memref<2x200x64xf32, #tpu.memory_space<vmem>>
    tpu.wait_dma2 semaphore(%arg11 : memref<!tpu.dma_semaphore, #tpu.memory_space<semaphore_mem>>) src(%dma_wait3A_181 : memref<2x200x64xf32, #tpu.memory_space<vmem>>) dst(%dma_wait3A_176 : memref<2x200x64xf32, #tpu.memory_space<hbm>>)
    %add3A_182 = arith.constant 122 : i32
    %add3A_183 = arith.addi %mul3A_2, %add3A_182 : i32
    %dma_wait3A_184 = arith.constant 1 : i32
    %dma_wait3A_185 = arith.constant 0 : i32
    %dma_wait3A_186 = arith.constant 0 : i32
    %dma_wait3A_187 = arith.constant 0 : i32
    %dma_wait3A_188 = tpu.memref_slice %arg6[%dma_wait3A_184, %dma_wait3A_185, %dma_wait3A_186, %dma_wait3A_187] : memref<4x2x200x64xf32, #tpu.memory_space<vmem>> -> memref<1x2x200x64xf32, #tpu.memory_space<vmem>>
    %dma_wait3A_189 = tpu.memref_squeeze %dma_wait3A_188 : memref<1x2x200x64xf32, #tpu.memory_space<vmem>> -> memref<2x200x64xf32, #tpu.memory_space<vmem>>
    %dma_wait3A_190 = arith.constant 0 : i32
    %dma_wait3A_191 = arith.constant 0 : i32
    %dma_wait3A_192 = tpu.memref_slice %arg4[%add3A_183, %dma_wait3A_190, %dma_wait3A_191] : memref<4096x200x128xf32, #tpu.memory_space<hbm>> -> memref<2x200x64xf32, #tpu.memory_space<hbm>>
    %dma_wait3A_193 = arith.constant 0 : i32
    %dma_wait3A_194 = arith.constant 0 : i32
    %dma_wait3A_195 = tpu.memref_slice %arg4[%add3A_183, %dma_wait3A_193, %dma_wait3A_194] : memref<4096x200x128xf32, #tpu.memory_space<hbm>> -> memref<2x200x64xf32, #tpu.memory_space<hbm>>
    %dma_wait3A_196 = arith.constant 0 : i32
    %dma_wait3A_197 = arith.constant 0 : i32
    %dma_wait3A_198 = arith.constant 0 : i32
    %dma_wait3A_199 = tpu.memref_slice %arg6[%dma_wait3A_184, %dma_wait3A_196, %dma_wait3A_197, %dma_wait3A_198] : memref<4x2x200x64xf32, #tpu.memory_space<vmem>> -> memref<1x2x200x64xf32, #tpu.memory_space<vmem>>
    %dma_wait3A_200 = tpu.memref_squeeze %dma_wait3A_199 : memref<1x2x200x64xf32, #tpu.memory_space<vmem>> -> memref<2x200x64xf32, #tpu.memory_space<vmem>>
    tpu.wait_dma2 semaphore(%arg12 : memref<!tpu.dma_semaphore, #tpu.memory_space<semaphore_mem>>) src(%dma_wait3A_200 : memref<2x200x64xf32, #tpu.memory_space<vmem>>) dst(%dma_wait3A_195 : memref<2x200x64xf32, #tpu.memory_space<hbm>>)
    %add3A_201 = arith.constant 124 : i32
    %add3A_202 = arith.addi %mul3A_2, %add3A_201 : i32
    %dma_wait3A_203 = arith.constant 2 : i32
    %dma_wait3A_204 = arith.constant 0 : i32
    %dma_wait3A_205 = arith.constant 0 : i32
    %dma_wait3A_206 = arith.constant 0 : i32
    %dma_wait3A_207 = tpu.memref_slice %arg6[%dma_wait3A_203, %dma_wait3A_204, %dma_wait3A_205, %dma_wait3A_206] : memref<4x2x200x64xf32, #tpu.memory_space<vmem>> -> memref<1x2x200x64xf32, #tpu.memory_space<vmem>>
    %dma_wait3A_208 = tpu.memref_squeeze %dma_wait3A_207 : memref<1x2x200x64xf32, #tpu.memory_space<vmem>> -> memref<2x200x64xf32, #tpu.memory_space<vmem>>
    %dma_wait3A_209 = arith.constant 0 : i32
    %dma_wait3A_210 = arith.constant 0 : i32
    %dma_wait3A_211 = tpu.memref_slice %arg4[%add3A_202, %dma_wait3A_209, %dma_wait3A_210] : memref<4096x200x128xf32, #tpu.memory_space<hbm>> -> memref<2x200x64xf32, #tpu.memory_space<hbm>>
    %dma_wait3A_212 = arith.constant 0 : i32
    %dma_wait3A_213 = arith.constant 0 : i32
    %dma_wait3A_214 = tpu.memref_slice %arg4[%add3A_202, %dma_wait3A_212, %dma_wait3A_213] : memref<4096x200x128xf32, #tpu.memory_space<hbm>> -> memref<2x200x64xf32, #tpu.memory_space<hbm>>
    %dma_wait3A_215 = arith.constant 0 : i32
    %dma_wait3A_216 = arith.constant 0 : i32
    %dma_wait3A_217 = arith.constant 0 : i32
    %dma_wait3A_218 = tpu.memref_slice %arg6[%dma_wait3A_203, %dma_wait3A_215, %dma_wait3A_216, %dma_wait3A_217] : memref<4x2x200x64xf32, #tpu.memory_space<vmem>> -> memref<1x2x200x64xf32, #tpu.memory_space<vmem>>
    %dma_wait3A_219 = tpu.memref_squeeze %dma_wait3A_218 : memref<1x2x200x64xf32, #tpu.memory_space<vmem>> -> memref<2x200x64xf32, #tpu.memory_space<vmem>>
    tpu.wait_dma2 semaphore(%arg13 : memref<!tpu.dma_semaphore, #tpu.memory_space<semaphore_mem>>) src(%dma_wait3A_219 : memref<2x200x64xf32, #tpu.memory_space<vmem>>) dst(%dma_wait3A_214 : memref<2x200x64xf32, #tpu.memory_space<hbm>>)
    %add3A_220 = arith.constant 126 : i32
    %add3A_221 = arith.addi %mul3A_2, %add3A_220 : i32
    %dma_wait3A_222 = arith.constant 3 : i32
    %dma_wait3A_223 = arith.constant 0 : i32
    %dma_wait3A_224 = arith.constant 0 : i32
    %dma_wait3A_225 = arith.constant 0 : i32
    %dma_wait3A_226 = tpu.memref_slice %arg6[%dma_wait3A_222, %dma_wait3A_223, %dma_wait3A_224, %dma_wait3A_225] : memref<4x2x200x64xf32, #tpu.memory_space<vmem>> -> memref<1x2x200x64xf32, #tpu.memory_space<vmem>>
    %dma_wait3A_227 = tpu.memref_squeeze %dma_wait3A_226 : memref<1x2x200x64xf32, #tpu.memory_space<vmem>> -> memref<2x200x64xf32, #tpu.memory_space<vmem>>
    %dma_wait3A_228 = arith.constant 0 : i32
    %dma_wait3A_229 = arith.constant 0 : i32
    %dma_wait3A_230 = tpu.memref_slice %arg4[%add3A_221, %dma_wait3A_228, %dma_wait3A_229] : memref<4096x200x128xf32, #tpu.memory_space<hbm>> -> memref<2x200x64xf32, #tpu.memory_space<hbm>>
    %dma_wait3A_231 = arith.constant 0 : i32
    %dma_wait3A_232 = arith.constant 0 : i32
    %dma_wait3A_233 = tpu.memref_slice %arg4[%add3A_221, %dma_wait3A_231, %dma_wait3A_232] : memref<4096x200x128xf32, #tpu.memory_space<hbm>> -> memref<2x200x64xf32, #tpu.memory_space<hbm>>
    %dma_wait3A_234 = arith.constant 0 : i32
    %dma_wait3A_235 = arith.constant 0 : i32
    %dma_wait3A_236 = arith.constant 0 : i32
    %dma_wait3A_237 = tpu.memref_slice %arg6[%dma_wait3A_222, %dma_wait3A_234, %dma_wait3A_235, %dma_wait3A_236] : memref<4x2x200x64xf32, #tpu.memory_space<vmem>> -> memref<1x2x200x64xf32, #tpu.memory_space<vmem>>
    %dma_wait3A_238 = tpu.memref_squeeze %dma_wait3A_237 : memref<1x2x200x64xf32, #tpu.memory_space<vmem>> -> memref<2x200x64xf32, #tpu.memory_space<vmem>>
    tpu.wait_dma2 semaphore(%arg14 : memref<!tpu.dma_semaphore, #tpu.memory_space<semaphore_mem>>) src(%dma_wait3A_238 : memref<2x200x64xf32, #tpu.memory_space<vmem>>) dst(%dma_wait3A_233 : memref<2x200x64xf32, #tpu.memory_space<hbm>>)
    return
  }
}

</mosaic_0001>

<sc_bundles>
// kernel: kernel.3.cloned.1.call-start
scs
__scs_entry_jumppad:
0x0: {  	(pc) =	sbr.rel $0x88, $3  }
0x1: {  	(tag) =	ssettag $0x0;
	lr =	simm.s32 $0x1  }
0x2: {  	[smem:$0x3F9F] =	sst lr;
	_ =	strace $0xD0000000  }
0x3: {  	_ = 	snop  }
0x4: {  	_ = 	snop  }
0x5: {  	_ = 	snop  }
0x6: {  	_ = 	snop  }
0x7: {  	_ = 	snop  }
__scs_overlays_trampoline_lowered:
0x8: {  	[smem:$0x3FAE] =	sst s0  }
0x9: {  	[smem:$0x3FAF] =	sst s1  }
0xa: {  	[smem:$0x3FB0] =	sst s2  }
0xb: {  	[smem:$0x3FB1] =	sst s3  }
0xc: {  	[smem:$0x3FB2] =	sst s4  }
0xd: {  	[smem:$0x3FB3] =	sst s5  }
0xe: {  	[smem:$0x3FB4] =	sst s6  }
0xf: {  	[smem:$0x3FB5] =	sst s7  }
0x10: {  	[smem:$0x3FB6] =	sst s8  }
0x11: {  	[smem:$0x3FB7] =	sst s9;
	s0 =	simm.s32 @!p0 $0x0  }
0x12: {  	s1 =	sld [smem:$0x3F9D];
	s0 =	simm.s32 @p0 $0x1  }
0x13: {  	[smem:$0x3FB8] =	sst s0;
	s0 =	simm.s32 @!p1 $0x0  }
0x14: {  	s2 =	sld [smem:$0x3F9C];
	s0 =	simm.s32 @p1 $0x1  }
0x15: {  	[smem:$0x3FB9] =	sst s0;
	s0 =	simm.s32 @!p2 $0x0  }
0x16: {  	s3 =	sld [smem:$0x3FDB];
	s0 =	simm.s32 @p2 $0x1  }
0x17: {  	s4 =	simm.s32 $0x1BF5;
	[smem:$0x3FBB] =	sst s0  }
0x18: {  	s0 =	sld [smem:$0x3F9E];
	_ =	swait.ge [sflag:s4], $0x0  }
0x19: {  	s7 =	sld [smem:$0x3F9F]  }
0x1a: {  	s8 =	sadd.s32 $0xFFFFE003, lr  }
0x1b: {  	s9 =	sadd.s32 $0xFFFFFEF7, lr;
	s5 =	simm.s32 $0xFFFFFFFF;
	p2 =	slt.u32 s8, $0xFFFFF086  }
0x1c: {  	p1 =	slt.u32 s9, $0xF7A;
	s5 =	simm.s32 @!p2 $0x0  }
0x1d: {  	s5 =	simm.s32 @p1 $0x1;
	p0 =	seq.s32 s7, s2  }
0x1e: {  	s7 =	smul.u32 @!p0 $0xF7A, s2;
	p2 =	seq.s32 @!p0 s5, $0x0  }
0x1f: {  	s9 =	smul.u32 $0xF7A, s1;
	s8 =	simm.s32 @!p0 $0x1BF5;
	p2 =	por !p2, p0  }
0x20: {  	[sflag:s8] =	ssyncset.s32 @!p0 $0xFFFFF086;
	s6 =	sadd.s32 @!p0 s3, s7;
	s7 =	simm.s32 @!p0 $0x108  }
0x21: {  	s3 =	sadd.s32 s3, s9;
	s6 =	sadd.s32 @!p0 $0x88, s6;
	s7 =	simm.s32 @p2 $0x1082  }
0x22: {  	[simem:s7], [sflag:s8] =	dma.local @!p0 [hbm:s6], $0xF7A  }
0x23: {  	s9 =	sor.u32 $0xD0000000, s2;
	s6 =	simm.s32 $0x108;
	_ =	swait.ge @!p0 [sflag:s8], $0x0  }
0x24: {  	s3 =	sadd.s32 $0x88, s3;
	s6 =	simm.s32 @!p1 $0x1082;
	[sflag:s4] =	ssyncset.s32 $0xFFFFF086  }
0x25: {  	[simem:s6], [sflag:s4] =	dma.local [hbm:s3], $0xF7A  }
0x26: {  	[smem:$0x3F9F] =	sst s1;
	(tag) =	ssettag s2;
	_ =	strace s9  }
0x27: {  	s1 =	sld [smem:$0x3FAF]  }
0x28: {  	s2 =	sld [smem:$0x3FB0]  }
0x29: {  	s4 =	sld [smem:$0x3FB2]  }
0x2a: {  	p0 =	seq.s32 s5, $0x0;
	s5 =	sld [smem:$0x3FB3]  }
0x2b: {  	s6 =	sld [smem:$0x3FB4]  }
0x2c: {  	s7 =	sld [smem:$0x3FB5]  }
0x2d: {  	s3 =	simm.s32 $0x108;
	s8 =	sld [smem:$0x3FB6]  }
0x2e: {  	s3 =	simm.s32 @!p0 $0x1082;
	s9 =	sld [smem:$0x3FB7]  }
0x2f: {  	lr =	sadd.s32 s0, s3;
	s0 =	sld [smem:$0x3FAE]  }
0x30: {  	s3 =	sld [smem:$0x3FB1]  }
0x31: {  	[smem:$0x3FBA] =	sst s10  }
0x32: {  	s10 =	sld [smem:$0x3FB8];
	_ =	sdelay $0x3  }
0x33: {  	p0 =	seq.s32 s10, $0x1;
	s10 =	sld [smem:$0x3FBA];
	_ =	sdelay $0x3  }
0x34: {  	[smem:$0x3FBA] =	sst s10  }
0x35: {  	s10 =	sld [smem:$0x3FB9];
	_ =	sdelay $0x3  }
0x36: {  	p1 =	seq.s32 s10, $0x1;
	s10 =	sld [smem:$0x3FBA];
	_ =	sdelay $0x3  }
0x37: {  	[smem:$0x3FBA] =	sst s10  }
0x38: {  	s10 =	sld [smem:$0x3FBB]  }
0x39: {  	_ = 	snop;
	(pc) =	sbr.ind lr, $3  }
0x3a: {  	_ = 	snop  }
0x3b: {  	_ = 	snop  }
0x3c: {  	p2 =	seq.s32 s10, $0x1;
	s10 =	sld [smem:$0x3FBA]  }
0x3d: {  	_ =	shalt  }
0x3e: {  	_ =	shalt  }
0x3f: {  	_ =	shalt  }
0x40: {  	_ =	shalt  }
0x41: {  	_ =	shalt  }
0x42: {  	_ =	shalt  }
0x43: {  	_ =	shalt  }
0x44: {  	_ =	shalt  }
0x45: {  	_ =	shalt  }
0x46: {  	_ =	shalt  }
0x47: {  	_ =	shalt  }
0x48: {  	_ =	shalt  }
0x49: {  	_ =	shalt  }
0x4a: {  	_ =	shalt  }
0x4b: {  	_ =	shalt  }
0x4c: {  	_ =	shalt  }
0x4d: {  	_ =	shalt  }
0x4e: {  	_ =	shalt  }
0x4f: {  	_ =	shalt  }
0x50: {  	_ =	shalt  }
0x51: {  	_ =	shalt  }
0x52: {  	_ =	shalt  }
0x53: {  	_ =	shalt  }
0x54: {  	_ =	shalt  }
0x55: {  	_ =	shalt  }
0x56: {  	_ =	shalt  }
0x57: {  	_ =	shalt  }
0x58: {  	_ =	shalt  }
0x59: {  	_ =	shalt  }
0x5a: {  	_ =	shalt  }
0x5b: {  	_ =	shalt  }
0x5c: {  	_ =	shalt  }
0x5d: {  	_ =	shalt  }
0x5e: {  	_ =	shalt  }
0x5f: {  	_ =	shalt  }
0x60: {  	_ =	shalt  }
0x61: {  	_ =	shalt  }
0x62: {  	_ =	shalt  }
0x63: {  	_ =	shalt  }
0x64: {  	_ =	shalt  }
0x65: {  	_ =	shalt  }
0x66: {  	_ =	shalt  }
0x67: {  	_ =	shalt  }
0x68: {  	_ =	shalt  }
0x69: {  	_ =	shalt  }
0x6a: {  	_ =	shalt  }
0x6b: {  	_ =	shalt  }
0x6c: {  	_ =	shalt  }
0x6d: {  	_ =	shalt  }
0x6e: {  	_ =	shalt  }
0x6f: {  	_ =	shalt  }
0x70: {  	_ =	shalt  }
0x71: {  	_ =	shalt  }
0x72: {  	_ =	shalt  }
0x73: {  	_ =	shalt  }
0x74: {  	_ =	shalt  }
0x75: {  	_ =	shalt  }
0x76: {  	_ =	shalt  }
0x77: {  	_ =	shalt  }
0x78: {  	_ =	shalt  }
0x79: {  	_ =	shalt  }
0x7a: {  	_ =	shalt  }
0x7b: {  	_ =	shalt  }
0x7c: {  	_ =	shalt  }
0x7d: {  	_ =	shalt  }
0x7e: {  	_ =	shalt  }
0x7f: {  	_ =	shalt  }
0x80: {  	_ =	shalt  }
0x81: {  	_ =	shalt  }
0x82: {  	_ =	shalt  }
0x83: {  	_ =	shalt  }
0x84: {  	_ =	shalt  }
0x85: {  	_ =	shalt  }
0x86: {  	_ =	shalt  }
0x87: {  	_ =	shalt  }
.Lfunc_end0:
.L_simem_size_0:
called_computation.1_lowered:
.L_overlay_start_0:
0x88: {  	s2 =	sld [smem:$0x3FD9]  }
0x89: {  	s3 =	sld [smem:$0x3FFE];
	_ =	sdelay $0x1  }
0x8a: {  	s1 =	srdreg.scid  }
0x8b: {  	s0 =	sand.u32 $0x1, s1  }
0x8c: {  	s16 =	sshll.u32 s0, $0xA;
	s2 =	sadd.s32 s3, s2  }
0x8d: {  	s2 =	sadd.s32 s2, s16  }
0x8e: {  	[smem:$0x3FC6] =	sst s2  }
0x8f: {  	_ = 	snop  }
0x90: {  	(tm) =	ssettm $0x1  }
0x91: {  	s17 =	sld [smem:$0x3FFB];
	_ =	sdelay $0x3  }
0x92: {  	_ =	strace s17  }
0x93: {  	s2 =	sld [smem:$0x3FFC];
	_ =	sdelay $0x3  }
0x94: {  	_ =	strace s2  }
0x95: {  	s2 =	sld [smem:$0x3FFD];
	_ =	sdelay $0x3  }
0x96: {  	_ =	strace s2  }
0x97: {  	_ =	strace $0x8FFFFFFF  }
0x98: {  	s18 =	sld [smem:$0x3FDB];
	_ =	sdelay $0x1  }
0x99: {  	s19 =	simm.s32 $_scs_section_size  }
0x9a: {  	s4 =	simm.s32 $_size__tile_overlayer_lowered;
	s5 =	simm.s32 $_tile_overlayer_lowered  }
0x9b: {  	s22 =	simm.s32 $0x1BFF;
	s21 =	sshll.u32 s5, $0x1;
	s2 =	sadd.s32 s19, s18  }
0x9c: {  	s6 =	simm.s32 $0x0;
	s20 =	sshll.u32 s4, $0x1;
	s4 =	sadd.s32 s21, s2  }
0x9d: {  	[timem:s6], [sflag:s22] =	dma.local [hbm:s4], s20  }
0x9e: {  	_ =	swait.ge [sflag:s22], s20  }
0x9f: {  	s3 =	ssub.s32 $0x0, s20;
	[sflag:s22] =	ssyncset.done $0x0  }
0xa0: {  	[sflag:s22] =	ssyncadd.s32 s3;
	_ =	sdelay $0x1  }
0xa1: {  	s23 =	simm.s32 $0x1B8B  }
0xa2: {  	_ =	swait.ge [sflag:s23], $0x1  }
0xa3: {  	[sflag:s23] =	ssyncset.done $0x0  }
0xa4: {  	s25 =	simm.s32 $0x1B8E;
	s24 =	sld [smem:$0x3FFE];
	[sflag:s23] =	ssyncadd.s32 $0xFFFFFFFF  }
0xa5: {  	s26 =	simm.s32 $execute0_lowered;
	[smem:$0x3FD2] =	sst s25  }
0xa6: {  	s4 =	sshll.u32 s26, $0x1;
	_ =	strace $0x80000046;
	[dreg:$0x1] =	wrdreg $0xFFFFFFFF  }
0xa7: {  	s28 =	simm.s32 $_size_execute0_lowered;
	s2 =	sadd.s32 s2, s4;
	[dreg:$0x0] =	wrdreg $0x0  }
0xa8: {  	s4 =	sshll.u32 s28, $0x1;
	[dreg:$0x2] =	wrdreg s2  }
0xa9: {  	[dreg:$0x3] =	wrdreg s4  }
0xaa: {  	[dreg:$0x4] =	wrdreg $0xC0  }
0xab: {  	_ =	task [dreg:s6], $0x5FFFF  }
0xac: {  	[dreg:$0x1] =	wrdreg $0xFFFFFFFF  }
0xad: {  	[dreg:$0x0] =	wrdreg $0x60  }
0xae: {  	[dreg:$0x2] =	wrdreg s24  }
0xaf: {  	[dreg:$0x3] =	wrdreg $0x9  }
0xb0: {  	_ =	task.clear_ibuf [dreg:s6], $0x4FFFF;
	_ =	strace $0x90000046  }
0xb1: {  	s29 =	simm.s32 $0x9;
	_ =	strace $0x80000048  }
0xb2: {  	_ =	swait.ge [sflag:s29], $0x1  }
0xb3: {  	[sflag:s29] =	ssyncadd.s32 $0xFFFFFFFF  }
0xb4: {  	_ =	strace $0x90000048  }
0xb5: {  	_ =	sfence  }
0xb6: {  	s30 =	sld [smem:$0x0];
	_ =	sdelay $0x2  }
0xb7: {  	s31 =	sshll.u32 s1, $0xD;
	s1 =	sshrl.u32 s1, $0x2  }
0xb8: {  	s3 =	sand.u32 $0x4000, s31;
	s1 =	sadd.s32 s1, s30  }
0xb9: {  	s0 =	sor.u32 s3, s0;
	s1 =	sshll.u32 s1, $0x11  }
0xba: {  	s0 =	sor.u32 s1, s0  }
0xbb: {  	s0 =	sadd.s32 $0x8F2B, s0  }
0xbc: {  	[sflag:s0] =	ssyncadd.remote.s32 $0x1  }
0xbd: {  	_ =	sfence.sel $0xFFFF  }
0xbe: {  	[dreg:$0x0] =	wrdreg $0xFFFFFFFF;
	(pc) =	sbr.abs _section_cstart, $3  }
0xbf: {  	[dreg:$0x1] =	wrdreg $0xFFFFFFFF  }
0xc0: {  	_ =	task.clear_ibuf [dreg:s6], $0x2FFFF;
	_ =	strace $0x9FFFFFFF  }
0xc1: {  	(tm) =	ssettm $0x7FFFFFFF  }
tec
execute0_lowered:
.L_overlay_start_1:
0x0: {  	(tag) =	ssettag $0x1  }
0x1: {  	s0 =	srdreg.scid;
	s3 =	stileid.u32  }
0x2: {  	s4 =	rddreg [dreg:$0x0];
	s24 =	simm.s32 $0x0;
	s8 =	simm.s32 $0x80  }
0x3: {  	s9 =	simm.s32 $0x6400;
	s10 =	simm.s32 $0x48;
	s17 =	simm.s32 $0xC800  }
0x4: {  	s29 =	simm.s32 $0x1B000;
	s30 =	simm.s32 $0x1C200;
	s31 =	simm.s32 $0x1E200  }
0x5: {  	s11 =	simm.s32 $0x1;
	s12 =	simm.s32 $0x40;
	s13 =	simm.s32 $0x2  }
0x6: {  	s14 =	simm.s32 $0x3;
	s15 =	simm.s32 $0x4;
	s21 =	simm.s32 $0x0  }
0x7: {  	s0 =	sand.u32 $0x1, s0;
	s1 =	sshll.u32 s3, $0x8;
	[smem:$0x7FF] =	sst s24  }
0x8: {  	s25 =	smul.u32 $0xC8000, s3;
	s2 =	sshll.u32 s0, $0x7;
	_ =	strace $0x80000047  }
0x9: {  	s5 =	ssub.s32 $0x2, s0;
	s0 =	smul.u32 $0x64000, s0;
	[dreg:$0x2] =	wrdreg s29  }
0xa: {  	[dreg:$0x3] =	wrdreg s30;
	s1 =	sor.u32 s2, s1;
	s6 =	sshrl.u32 s5, $0x1  }
0xb: {  	s2 =	sadd.s32 s25, s4;
	s1 =	smul.u32 $0x19, s1;
	s26 =	ssub.s32 s5, s6  }
0xc: {  	[dreg:$0x4] =	wrdreg s31;
	s0 =	sadd.s32 s0, s2;
	s28 =	smax.u32 s26, $0x1  }
0xd: {  	s0 =	sadd.s32 $0xDCE00, s0;
	s1 =	sadd.s32 s1, s4;
	[dreg:$0x6] =	wrdreg s28  }
0xe: {  	s3 =	sadd.s32 $0x19800, s4;
	[dreg:$0x7] =	wrdreg s0;
	s1 =	sadd.s32 $0x800, s1  }
0xf: {  	s25 =	simm.s32 $0x12C00;
	s0 =	simm.s32 $0x19000;
	[dreg:$0x5] =	wrdreg s1  }
.LBB2_1:
0x10: {  	s1 =	simm.s32 $0x0;
	s2 =	rddreg [dreg:$0x5];
	s5 =	simm.s32 $0x9  }
0x11: {  	[tilespmem:s1], [sflag:$0x9] =	stream.linear.gather [hbm4b:s2+s1], $0x6400, $0x38;
	[tilespmem:$0x1F400] =	vst v63  }
0x12: {  	_ =	swait.ge [sflag:s5], $0x6400  }
0x13: {  	[sflag:s5] =	ssyncset.done $0x0  }
0x14: {  	[sflag:s5] =	ssyncadd.s32 $0xFFFF9C00  }
0x15: {  	[tilespmem:s9], [sflag:$0x1] =	stream.indirect.gather [hbm4b:s3+s8], $0x40, s1, s8, $0xb8;
	[tilespmem:$0x1F400] =	vst v63  }
0x16: {  	s6 =	simm.s32 $0x8400  }
0x17: {  	[tilespmem:s6], [sflag:$0x1] =	stream.indirect.gather [hbm4b:s3+s10], $0x40, s8, s10, $0xb8;
	[tilespmem:$0x1F400] =	vst v63  }
0x18: {  	s7 =	simm.s32 $0xC8;
	s16 =	simm.s32 $0x9600  }
0x19: {  	[tilespmem:s16], [sflag:$0x1] =	stream.indirect.gather [hbm4b:s3+s8], $0x40, s7, s8, $0xb8;
	[tilespmem:$0x1F400] =	vst v63  }
0x1a: {  	s18 =	simm.s32 $0x148;
	s19 =	simm.s32 $0xB600  }
0x1b: {  	[tilespmem:s19], [sflag:$0x1] =	stream.indirect.gather [hbm4b:s3+s10], $0x40, s18, s10, $0xb8;
	[tilespmem:$0x1F400] =	vst v63  }
0x1c: {  	s20 =	simm.s32 $0x190  }
0x1d: {  	[tilespmem:s17], [sflag:$0x2] =	stream.indirect.gather [hbm4b:s3+s8], $0x40, s20, s8, $0xb8;
	[tilespmem:$0x1F400] =	vst v63  }
0x1e: {  	s22 =	simm.s32 $0x210;
	s23 =	simm.s32 $0xE800  }
0x1f: {  	[tilespmem:s23], [sflag:$0x2] =	stream.indirect.gather [hbm4b:s3+s10], $0x40, s22, s10, $0xb8;
	[tilespmem:$0x1F400] =	vst v63  }
0x20: {  	s24 =	simm.s32 $0x258;
	s26 =	simm.s32 $0xFA00  }
0x21: {  	[tilespmem:s26], [sflag:$0x2] =	stream.indirect.gather [hbm4b:s3+s8], $0x40, s24, s8, $0xb8;
	[tilespmem:$0x1F400] =	vst v63  }
0x22: {  	s30 =	simm.s32 $0x2D8;
	s31 =	simm.s32 $0x11A00  }
0x23: {  	[tilespmem:s31], [sflag:$0x2] =	stream.indirect.gather [hbm4b:s3+s10], $0x40, s30, s10, $0xb8;
	[tilespmem:$0x1F400] =	vst v63  }
0x24: {  	s2 =	simm.s32 $0x320  }
0x25: {  	[tilespmem:s25], [sflag:$0x3] =	stream.indirect.gather [hbm4b:s3+s8], $0x40, s2, s8, $0xb8;
	[tilespmem:$0x1F400] =	vst v63  }
0x26: {  	s4 =	simm.s32 $0x3A0;
	s5 =	simm.s32 $0x14C00  }
0x27: {  	[tilespmem:s5], [sflag:$0x3] =	stream.indirect.gather [hbm4b:s3+s10], $0x40, s4, s10, $0xb8;
	[tilespmem:$0x1F400] =	vst v63  }
0x28: {  	p0 =	por $0x1, $0x1;
	s6 =	simm.s32 $0x3E8;
	s7 =	simm.s32 $0x15E00  }
0x29: {  	[tilespmem:s7], [sflag:$0x3] =	stream.indirect.gather [hbm4b:s3+s8], $0x40, s6, s8, $0xb8;
	[tilespmem:$0x1F400] =	vst v63  }
0x2a: {  	s1 =	simm.s32 @!p0 $0x8;
	s16 =	simm.s32 $0x468;
	s18 =	simm.s32 $0x17E00  }
0x2b: {  	[tilespmem:s18], [sflag:$0x3] =	stream.indirect.gather [hbm4b:s3+s10], $0x40, s16, s10, $0xb8;
	[tilespmem:$0x1F400] =	vst v63  }
0x2c: {  	_ =	swait.ge @!p0 [sflag:s1], $0x6400  }
0x2d: {  	[sflag:s1] =	ssyncset.done @!p0 $0x0  }
0x2e: {  	s19 =	simm.s32 $0x4B0;
	[sflag:s1] =	ssyncadd.s32 @!p0 $0xFFFF9C00  }
0x2f: {  	[tilespmem:s0], [sflag:$0x4] =	stream.indirect.gather [hbm4b:s3+s8], $0x40, s19, s8, $0xb8;
	[tilespmem:$0x1F400] =	vst v63  }
0x30: {  	s20 =	simm.s32 $0x530;
	s4 =	rddreg [dreg:$0x2]  }
0x31: {  	[tilespmem:s4], [sflag:$0x4] =	stream.indirect.gather [hbm4b:s3+s10], $0x40, s20, s10, $0xb8;
	[tilespmem:$0x1F400] =	vst v63  }
0x32: {  	s23 =	simm.s32 $0x578;
	s22 =	rddreg [dreg:$0x3]  }
0x33: {  	[tilespmem:s22], [sflag:$0x4] =	stream.indirect.gather [hbm4b:s3+s8], $0x40, s23, s8, $0xb8;
	[tilespmem:$0x1F400] =	vst v63  }
0x34: {  	s26 =	simm.s32 $0x5F8;
	s24 =	rddreg [dreg:$0x4]  }
0x35: {  	[tilespmem:s24], [sflag:$0x4] =	stream.indirect.gather [hbm4b:s3+s10], $0x40, s26, s10, $0xb8;
	[tilespmem:$0x1F400] =	vst v63  }
0x36: {  	_ =	swait.ge [sflag:s11], $0x2000  }
0x37: {  	[sflag:s11] =	ssyncset.done $0x0  }
0x38: {  	[sflag:s11] =	ssyncadd.s32 $0xFFFFE000  }
0x39: {  	_ =	swait.ge [sflag:s11], $0x1200  }
0x3a: {  	[sflag:s11] =	ssyncset.done $0x0  }
0x3b: {  	[sflag:s11] =	ssyncadd.s32 $0xFFFFEE00  }
0x3c: {  	_ =	swait.ge [sflag:s11], $0x2000  }
0x3d: {  	[sflag:s11] =	ssyncset.done $0x0  }
0x3e: {  	[sflag:s11] =	ssyncadd.s32 $0xFFFFE000  }
0x3f: {  	_ =	swait.ge [sflag:s11], $0x1200  }
0x40: {  	p0 =	por $0x0, $0x0;
	[sflag:s11] =	ssyncset.done $0x0  }
0x41: {  	s2 =	simm.s32 @!p0 $0x5;
	s6 =	rddreg [dreg:$0x7];
	[sflag:s11] =	ssyncadd.s32 $0xFFFFEE00  }
0x42: {  	[hbm4b:s6+s12] =	stream.strided.scatter [tilespmem:s9], [sflag:$0x5], $0x6400, s8, s12, $0x38;
	[tilespmem:$0x1F400] =	vst v63  }
0x43: {  	_ =	swait.ge @!p0 [sflag:s2], $0x6400  }
0x44: {  	s1 =	simm.s32 @!p0 $0x80;
	[sflag:s2] =	ssyncset.done @!p0 $0x0  }
0x45: {  	s5 =	simm.s32 @!p0 $0x6400;
	s4 =	simm.s32 @!p0 $0x640;
	[sflag:s2] =	ssyncadd.s32 @!p0 $0xFFFF9C00  }
0x46: {  	[tilespmem:s5], [sflag:$0x1] =	stream.indirect.gather @!p0 [hbm4b:s3+s1], $0x40, s4, s1, $0xb8;
	[tilespmem:$0x1F400] =	vst v63  }
0x47: {  	s2 =	simm.s32 @!p0 $0x48;
	s4 =	simm.s32 @!p0 $0x6C0;
	s5 =	simm.s32 @!p0 $0x8400  }
0x48: {  	[tilespmem:s5], [sflag:$0x1] =	stream.indirect.gather @!p0 [hbm4b:s3+s2], $0x40, s4, s2, $0xb8;
	[tilespmem:$0x1F400] =	vst v63  }
0x49: {  	s4 =	simm.s32 @!p0 $0x708;
	s5 =	simm.s32 @!p0 $0x9600  }
0x4a: {  	[tilespmem:s5], [sflag:$0x1] =	stream.indirect.gather @!p0 [hbm4b:s3+s1], $0x40, s4, s1, $0xb8;
	[tilespmem:$0x1F400] =	vst v63  }
0x4b: {  	s4 =	simm.s32 @!p0 $0x788;
	s5 =	simm.s32 @!p0 $0xB600  }
0x4c: {  	[tilespmem:s5], [sflag:$0x1] =	stream.indirect.gather @!p0 [hbm4b:s3+s2], $0x40, s4, s2, $0xb8;
	[tilespmem:$0x1F400] =	vst v63  }
0x4d: {  	_ =	swait.ge [sflag:s13], $0x2000  }
0x4e: {  	[sflag:s13] =	ssyncset.done $0x0  }
0x4f: {  	[sflag:s13] =	ssyncadd.s32 $0xFFFFE000  }
0x50: {  	_ =	swait.ge [sflag:s13], $0x1200  }
0x51: {  	[sflag:s13] =	ssyncset.done $0x0  }
0x52: {  	[sflag:s13] =	ssyncadd.s32 $0xFFFFEE00  }
0x53: {  	_ =	swait.ge [sflag:s13], $0x2000  }
0x54: {  	[sflag:s13] =	ssyncset.done $0x0  }
0x55: {  	[sflag:s13] =	ssyncadd.s32 $0xFFFFE000  }
0x56: {  	_ =	swait.ge [sflag:s13], $0x1200  }
0x57: {  	[sflag:s13] =	ssyncset.done $0x0  }
0x58: {  	s30 =	sadd.s32 $0x1900, s6;
	s5 =	simm.s32 @!p0 $0x6;
	[sflag:s13] =	ssyncadd.s32 $0xFFFFEE00  }
0x59: {  	[hbm4b:s30+s12] =	stream.strided.scatter [tilespmem:s17], [sflag:$0x6], $0x6400, s8, s12, $0x38;
	[tilespmem:$0x1F400] =	vst v63  }
0x5a: {  	_ =	swait.ge @!p0 [sflag:s5], $0x6400  }
0x5b: {  	[sflag:s5] =	ssyncset.done @!p0 $0x0  }
0x5c: {  	s7 =	simm.s32 @!p0 $0xC800;
	s4 =	simm.s32 @!p0 $0x7D0;
	[sflag:s5] =	ssyncadd.s32 @!p0 $0xFFFF9C00  }
0x5d: {  	[tilespmem:s7], [sflag:$0x2] =	stream.indirect.gather @!p0 [hbm4b:s3+s1], $0x40, s4, s1, $0xb8;
	[tilespmem:$0x1F400] =	vst v63  }
0x5e: {  	s5 =	simm.s32 @!p0 $0xE800;
	s4 =	simm.s32 @!p0 $0x850  }
0x5f: {  	[tilespmem:s5], [sflag:$0x2] =	stream.indirect.gather @!p0 [hbm4b:s3+s2], $0x40, s4, s2, $0xb8;
	[tilespmem:$0x1F400] =	vst v63  }
0x60: {  	s4 =	simm.s32 @!p0 $0x898;
	s5 =	simm.s32 @!p0 $0xFA00  }
0x61: {  	[tilespmem:s5], [sflag:$0x2] =	stream.indirect.gather @!p0 [hbm4b:s3+s1], $0x40, s4, s1, $0xb8;
	[tilespmem:$0x1F400] =	vst v63  }
0x62: {  	s4 =	simm.s32 @!p0 $0x918;
	s5 =	simm.s32 @!p0 $0x11A00  }
0x63: {  	[tilespmem:s5], [sflag:$0x2] =	stream.indirect.gather @!p0 [hbm4b:s3+s2], $0x40, s4, s2, $0xb8;
	[tilespmem:$0x1F400] =	vst v63  }
0x64: {  	_ =	swait.ge [sflag:s14], $0x2000  }
0x65: {  	[sflag:s14] =	ssyncset.done $0x0  }
0x66: {  	[sflag:s14] =	ssyncadd.s32 $0xFFFFE000  }
0x67: {  	_ =	swait.ge [sflag:s14], $0x1200  }
0x68: {  	[sflag:s14] =	ssyncset.done $0x0  }
0x69: {  	[sflag:s14] =	ssyncadd.s32 $0xFFFFEE00  }
0x6a: {  	_ =	swait.ge [sflag:s14], $0x2000  }
0x6b: {  	[sflag:s14] =	ssyncset.done $0x0  }
0x6c: {  	[sflag:s14] =	ssyncadd.s32 $0xFFFFE000  }
0x6d: {  	_ =	swait.ge [sflag:s14], $0x1200  }
0x6e: {  	[sflag:s14] =	ssyncset.done $0x0  }
0x6f: {  	s31 =	sadd.s32 $0x3200, s6;
	s5 =	simm.s32 @!p0 $0x7;
	[sflag:s14] =	ssyncadd.s32 $0xFFFFEE00  }
0x70: {  	[hbm4b:s31+s12] =	stream.strided.scatter [tilespmem:s25], [sflag:$0x7], $0x6400, s8, s12, $0x38;
	[tilespmem:$0x1F400] =	vst v63  }
0x71: {  	_ =	swait.ge @!p0 [sflag:s5], $0x6400  }
0x72: {  	[sflag:s5] =	ssyncset.done @!p0 $0x0  }
0x73: {  	s7 =	simm.s32 @!p0 $0x12C00;
	s4 =	simm.s32 @!p0 $0x960;
	[sflag:s5] =	ssyncadd.s32 @!p0 $0xFFFF9C00  }
0x74: {  	[tilespmem:s7], [sflag:$0x3] =	stream.indirect.gather @!p0 [hbm4b:s3+s1], $0x40, s4, s1, $0xb8;
	[tilespmem:$0x1F400] =	vst v63  }
0x75: {  	s5 =	simm.s32 @!p0 $0x14C00;
	s4 =	simm.s32 @!p0 $0x9E0  }
0x76: {  	[tilespmem:s5], [sflag:$0x3] =	stream.indirect.gather @!p0 [hbm4b:s3+s2], $0x40, s4, s2, $0xb8;
	[tilespmem:$0x1F400] =	vst v63  }
0x77: {  	s4 =	simm.s32 @!p0 $0xA28;
	s5 =	simm.s32 @!p0 $0x15E00  }
0x78: {  	[tilespmem:s5], [sflag:$0x3] =	stream.indirect.gather @!p0 [hbm4b:s3+s1], $0x40, s4, s1, $0xb8;
	[tilespmem:$0x1F400] =	vst v63  }
0x79: {  	s1 =	simm.s32 @!p0 $0xAA8;
	s4 =	simm.s32 @!p0 $0x17E00  }
0x7a: {  	[tilespmem:s4], [sflag:$0x3] =	stream.indirect.gather @!p0 [hbm4b:s3+s2], $0x40, s1, s2, $0xb8;
	[tilespmem:$0x1F400] =	vst v63  }
0x7b: {  	_ =	swait.ge [sflag:s15], $0x2000  }
0x7c: {  	[sflag:s15] =	ssyncset.done $0x0  }
0x7d: {  	[sflag:s15] =	ssyncadd.s32 $0xFFFFE000  }
0x7e: {  	_ =	swait.ge [sflag:s15], $0x1200  }
0x7f: {  	[sflag:s15] =	ssyncset.done $0x0  }
0x80: {  	[sflag:s15] =	ssyncadd.s32 $0xFFFFEE00  }
0x81: {  	s28 =	simm.s32 $0x1900;
	_ =	swait.ge [sflag:s15], $0x2000  }
0x82: {  	p1 =	por $0x0, $0x0;
	s26 =	simm.s32 $0x3200;
	[sflag:s15] =	ssyncset.done $0x0  }
0x83: {  	s24 =	sadd.s32 $0x4B00, s6;
	s23 =	sadd.s32 $0x6400, s6;
	[sflag:s15] =	ssyncadd.s32 $0xFFFFE000  }
0x84: {  	s22 =	sadd.s32 $0x4B00, s23;
	s29 =	sadd.s32 $0x6400, s23;
	_ =	swait.ge [sflag:s15], $0x1200  }
.LBB2_2:
0x85: {  	[sflag:s15] =	ssyncset.done $0x0  }
0x86: {  	s2 =	simm.s32 @!p1 $0x8;
	[sflag:s15] =	ssyncadd.s32 $0xFFFFEE00  }
0x87: {  	[hbm4b:s24+s12] =	stream.strided.scatter [tilespmem:s0], [sflag:$0x8], $0x6400, s8, s12, $0x38;
	[tilespmem:$0x1F400] =	vst v63  }
0x88: {  	_ =	swait.ge @!p1 [sflag:s2], $0x6400  }
0x89: {  	s5 =	sshra.s32 s28, $0x2;
	[sflag:s2] =	ssyncset.done @!p1 $0x0  }
0x8a: {  	s7 =	sadd.s32 $0x4B0, s5;
	[sflag:s2] =	ssyncadd.s32 @!p1 $0xFFFF9C00  }
0x8b: {  	[tilespmem:s0], [sflag:$0x4] =	stream.indirect.gather [hbm4b:s3+s8], $0x40, s7, s8, $0xb8;
	[tilespmem:$0x1F400] =	vst v63  }
0x8c: {  	s6 =	sadd.s32 $0x530, s5;
	s30 =	rddreg [dreg:$0x2]  }
0x8d: {  	[tilespmem:s30], [sflag:$0x4] =	stream.indirect.gather [hbm4b:s3+s10], $0x40, s6, s10, $0xb8;
	[tilespmem:$0x1F400] =	vst v63  }
0x8e: {  	s16 =	sadd.s32 $0x578, s5;
	s7 =	rddreg [dreg:$0x3]  }
0x8f: {  	[tilespmem:s7], [sflag:$0x4] =	stream.indirect.gather [hbm4b:s3+s8], $0x40, s16, s8, $0xb8;
	[tilespmem:$0x1F400] =	vst v63  }
0x90: {  	s19 =	sadd.s32 $0x5F8, s5;
	s18 =	rddreg [dreg:$0x4]  }
0x91: {  	[tilespmem:s18], [sflag:$0x4] =	stream.indirect.gather [hbm4b:s3+s10], $0x40, s19, s10, $0xb8;
	[tilespmem:$0x1F400] =	vst v63  }
0x92: {  	_ =	swait.ge [sflag:s11], $0x2000  }
0x93: {  	[sflag:s11] =	ssyncset.done $0x0  }
0x94: {  	[sflag:s11] =	ssyncadd.s32 $0xFFFFE000  }
0x95: {  	_ =	swait.ge [sflag:s11], $0x1200  }
0x96: {  	[sflag:s11] =	ssyncset.done $0x0  }
0x97: {  	[sflag:s11] =	ssyncadd.s32 $0xFFFFEE00  }
0x98: {  	_ =	swait.ge [sflag:s11], $0x2000  }
0x99: {  	[sflag:s11] =	ssyncset.done $0x0  }
0x9a: {  	[sflag:s11] =	ssyncadd.s32 $0xFFFFE000  }
0x9b: {  	_ =	swait.ge [sflag:s11], $0x1200  }
0x9c: {  	p1 =	seq.s32 s28, $0x17700;
	[sflag:s11] =	ssyncset.done $0x0  }
0x9d: {  	s4 =	sadd.s32 $0x4B00, s29;
	s2 =	simm.s32 @!p1 $0x5;
	[sflag:s11] =	ssyncadd.s32 $0xFFFFEE00  }
0x9e: {  	[hbm4b:s23+s12] =	stream.strided.scatter [tilespmem:s9], [sflag:$0x5], $0x6400, s8, s12, $0x38;
	[tilespmem:$0x1F400] =	vst v63  }
0x9f: {  	s24 =	smov.u32 s22;
	s22 =	smov.u32 s4;
	_ =	swait.ge @!p1 [sflag:s2], $0x6400  }
0xa0: {  	s4 =	sshra.s32 @!p1 s28, $0x2;
	s28 =	simm.s32 @!p1 $0x6400;
	[sflag:s2] =	ssyncset.done @!p1 $0x0  }
0xa1: {  	s5 =	sadd.s32 @!p1 $0x640, s4;
	s30 =	simm.s32 @!p1 $0x80;
	[sflag:s2] =	ssyncadd.s32 @!p1 $0xFFFF9C00  }
0xa2: {  	[tilespmem:s28], [sflag:$0x1] =	stream.indirect.gather @!p1 [hbm4b:s3+s30], $0x40, s5, s30, $0xb8;
	[tilespmem:$0x1F400] =	vst v63  }
0xa3: {  	s31 =	simm.s32 @!p1 $0x48;
	s7 =	sadd.s32 @!p1 $0x6C0, s4;
	s2 =	simm.s32 @!p1 $0x8400  }
0xa4: {  	[tilespmem:s2], [sflag:$0x1] =	stream.indirect.gather @!p1 [hbm4b:s3+s31], $0x40, s7, s31, $0xb8;
	[tilespmem:$0x1F400] =	vst v63  }
0xa5: {  	s5 =	sadd.s32 @!p1 $0x708, s4;
	s28 =	simm.s32 @!p1 $0x9600  }
0xa6: {  	[tilespmem:s28], [sflag:$0x1] =	stream.indirect.gather @!p1 [hbm4b:s3+s30], $0x40, s5, s30, $0xb8;
	[tilespmem:$0x1F400] =	vst v63  }
0xa7: {  	s16 =	sadd.s32 @!p1 $0x788, s4;
	s2 =	simm.s32 @!p1 $0xB600  }
0xa8: {  	[tilespmem:s2], [sflag:$0x1] =	stream.indirect.gather @!p1 [hbm4b:s3+s31], $0x40, s16, s31, $0xb8;
	[tilespmem:$0x1F400] =	vst v63  }
0xa9: {  	_ =	swait.ge [sflag:s13], $0x2000  }
0xaa: {  	[sflag:s13] =	ssyncset.done $0x0  }
0xab: {  	[sflag:s13] =	ssyncadd.s32 $0xFFFFE000  }
0xac: {  	_ =	swait.ge [sflag:s13], $0x1200  }
0xad: {  	[sflag:s13] =	ssyncset.done $0x0  }
0xae: {  	[sflag:s13] =	ssyncadd.s32 $0xFFFFEE00  }
0xaf: {  	_ =	swait.ge [sflag:s13], $0x2000  }
0xb0: {  	[sflag:s13] =	ssyncset.done $0x0  }
0xb1: {  	[sflag:s13] =	ssyncadd.s32 $0xFFFFE000  }
0xb2: {  	s1 =	smov.u32 s26;
	_ =	swait.ge [sflag:s13], $0x1200  }
0xb3: {  	s28 =	smov.u32 s1;
	[sflag:s13] =	ssyncset.done $0x0  }
0xb4: {  	s1 =	sadd.s32 $0x1900, s23;
	s16 =	simm.s32 @!p1 $0x6;
	[sflag:s13] =	ssyncadd.s32 $0xFFFFEE00  }
0xb5: {  	[hbm4b:s1+s12] =	stream.strided.scatter [tilespmem:s17], [sflag:$0x6], $0x6400, s8, s12, $0x38;
	[tilespmem:$0x1F400] =	vst v63  }
0xb6: {  	_ =	swait.ge @!p1 [sflag:s16], $0x6400  }
0xb7: {  	[sflag:s16] =	ssyncset.done @!p1 $0x0  }
0xb8: {  	s18 =	sadd.s32 @!p1 $0x7D0, s4;
	s1 =	simm.s32 @!p1 $0xC800;
	[sflag:s16] =	ssyncadd.s32 @!p1 $0xFFFF9C00  }
0xb9: {  	[tilespmem:s1], [sflag:$0x2] =	stream.indirect.gather @!p1 [hbm4b:s3+s30], $0x40, s18, s30, $0xb8;
	[tilespmem:$0x1F400] =	vst v63  }
0xba: {  	s19 =	sadd.s32 @!p1 $0x850, s4;
	s16 =	simm.s32 @!p1 $0xE800  }
0xbb: {  	[tilespmem:s16], [sflag:$0x2] =	stream.indirect.gather @!p1 [hbm4b:s3+s31], $0x40, s19, s31, $0xb8;
	[tilespmem:$0x1F400] =	vst v63  }
0xbc: {  	s20 =	sadd.s32 @!p1 $0x898, s4;
	s1 =	simm.s32 @!p1 $0xFA00  }
0xbd: {  	[tilespmem:s1], [sflag:$0x2] =	stream.indirect.gather @!p1 [hbm4b:s3+s30], $0x40, s20, s30, $0xb8;
	[tilespmem:$0x1F400] =	vst v63  }
0xbe: {  	s6 =	sadd.s32 @!p1 $0x918, s4;
	s16 =	simm.s32 @!p1 $0x11A00  }
0xbf: {  	[tilespmem:s16], [sflag:$0x2] =	stream.indirect.gather @!p1 [hbm4b:s3+s31], $0x40, s6, s31, $0xb8;
	[tilespmem:$0x1F400] =	vst v63  }
0xc0: {  	_ =	swait.ge [sflag:s14], $0x2000  }
0xc1: {  	[sflag:s14] =	ssyncset.done $0x0  }
0xc2: {  	[sflag:s14] =	ssyncadd.s32 $0xFFFFE000  }
0xc3: {  	_ =	swait.ge [sflag:s14], $0x1200  }
0xc4: {  	[sflag:s14] =	ssyncset.done $0x0  }
0xc5: {  	[sflag:s14] =	ssyncadd.s32 $0xFFFFEE00  }
0xc6: {  	_ =	swait.ge [sflag:s14], $0x2000  }
0xc7: {  	[sflag:s14] =	ssyncset.done $0x0  }
0xc8: {  	[sflag:s14] =	ssyncadd.s32 $0xFFFFE000  }
0xc9: {  	_ =	swait.ge [sflag:s14], $0x1200  }
0xca: {  	[sflag:s14] =	ssyncset.done $0x0  }
0xcb: {  	s20 =	sadd.s32 $0x3200, s23;
	s6 =	simm.s32 @!p1 $0x7;
	[sflag:s14] =	ssyncadd.s32 $0xFFFFEE00  }
0xcc: {  	[hbm4b:s20+s12] =	stream.strided.scatter [tilespmem:s25], [sflag:$0x7], $0x6400, s8, s12, $0x38;
	[tilespmem:$0x1F400] =	vst v63  }
0xcd: {  	_ =	swait.ge @!p1 [sflag:s6], $0x6400  }
0xce: {  	[sflag:s6] =	ssyncset.done @!p1 $0x0  }
0xcf: {  	s5 =	sadd.s32 @!p1 $0x960, s4;
	s1 =	simm.s32 @!p1 $0x12C00;
	[sflag:s6] =	ssyncadd.s32 @!p1 $0xFFFF9C00  }
0xd0: {  	[tilespmem:s1], [sflag:$0x3] =	stream.indirect.gather @!p1 [hbm4b:s3+s30], $0x40, s5, s30, $0xb8;
	[tilespmem:$0x1F400] =	vst v63  }
0xd1: {  	s7 =	sadd.s32 @!p1 $0x9E0, s4;
	s6 =	simm.s32 @!p1 $0x14C00  }
0xd2: {  	[tilespmem:s6], [sflag:$0x3] =	stream.indirect.gather @!p1 [hbm4b:s3+s31], $0x40, s7, s31, $0xb8;
	[tilespmem:$0x1F400] =	vst v63  }
0xd3: {  	s2 =	sadd.s32 @!p1 $0xA28, s4;
	s1 =	simm.s32 @!p1 $0x15E00  }
0xd4: {  	[tilespmem:s1], [sflag:$0x3] =	stream.indirect.gather @!p1 [hbm4b:s3+s30], $0x40, s2, s30, $0xb8;
	[tilespmem:$0x1F400] =	vst v63  }
0xd5: {  	s4 =	sadd.s32 @!p1 $0xAA8, s4;
	s5 =	simm.s32 @!p1 $0x17E00  }
0xd6: {  	[tilespmem:s5], [sflag:$0x3] =	stream.indirect.gather @!p1 [hbm4b:s3+s31], $0x40, s4, s31, $0xb8;
	[tilespmem:$0x1F400] =	vst v63  }
0xd7: {  	_ =	swait.ge [sflag:s15], $0x2000  }
0xd8: {  	[sflag:s15] =	ssyncset.done $0x0  }
0xd9: {  	[sflag:s15] =	ssyncadd.s32 $0xFFFFE000  }
0xda: {  	s26 =	sadd.s32 $0x1900, s26;
	_ =	swait.ge [sflag:s15], $0x1200  }
0xdb: {  	p0 =	sne.s32 s26, $0x19000;
	[sflag:s15] =	ssyncset.done $0x0  }
.Ltmp0:
0xdc: {  	[sflag:s15] =	ssyncadd.s32 $0xFFFFEE00;
	(pc) =	sbr.rel @p0 .LBB2_2-.Ltmp0, $4  }
0xdd: {  	_ =	swait.ge [sflag:s15], $0x2000  }
0xde: {  	[sflag:s15] =	ssyncset.done $0x0  }
0xdf: {  	s23 =	smov.u32 s29;
	[sflag:s15] =	ssyncadd.s32 $0xFFFFE000  }
0xe0: {  	s29 =	sadd.s32 $0x6400, s29;
	p1 =	seq.s32 s28, $0x0;
	_ =	swait.ge [sflag:s15], $0x1200  }
0xe1: {  	[sflag:s15] =	ssyncset.done $0x0  }
0xe2: {  	s1 =	simm.s32 @!p1 $0x8;
	[sflag:s15] =	ssyncadd.s32 $0xFFFFEE00  }
0xe3: {  	[hbm4b:s24+s12] =	stream.strided.scatter [tilespmem:s0], [sflag:$0x8], $0x6400, s8, s12, $0x38;
	[tilespmem:$0x1F400] =	vst v63  }
0xe4: {  	_ =	swait.ge @!p1 [sflag:s1], $0x6400  }
0xe5: {  	s2 =	sshra.s32 s28, $0x2;
	[sflag:s1] =	ssyncset.done @!p1 $0x0  }
0xe6: {  	s4 =	sadd.s32 $0x4B0, s2;
	[sflag:s1] =	ssyncadd.s32 @!p1 $0xFFFF9C00  }
0xe7: {  	[tilespmem:s0], [sflag:$0x4] =	stream.indirect.gather [hbm4b:s3+s8], $0x40, s4, s8, $0xb8;
	[tilespmem:$0x1F400] =	vst v63  }
0xe8: {  	s6 =	sadd.s32 $0x530, s2;
	s5 =	rddreg [dreg:$0x2]  }
0xe9: {  	[tilespmem:s5], [sflag:$0x4] =	stream.indirect.gather [hbm4b:s3+s10], $0x40, s6, s10, $0xb8;
	[tilespmem:$0x1F400] =	vst v63  }
0xea: {  	s16 =	sadd.s32 $0x578, s2;
	s7 =	rddreg [dreg:$0x3]  }
0xeb: {  	[tilespmem:s7], [sflag:$0x4] =	stream.indirect.gather [hbm4b:s3+s8], $0x40, s16, s8, $0xb8;
	[tilespmem:$0x1F400] =	vst v63  }
0xec: {  	s19 =	sadd.s32 $0x5F8, s2;
	s18 =	rddreg [dreg:$0x4]  }
0xed: {  	[tilespmem:s18], [sflag:$0x4] =	stream.indirect.gather [hbm4b:s3+s10], $0x40, s19, s10, $0xb8;
	[tilespmem:$0x1F400] =	vst v63  }
0xee: {  	_ =	swait.ge [sflag:s11], $0x2000  }
0xef: {  	[sflag:s11] =	ssyncset.done $0x0  }
0xf0: {  	[sflag:s11] =	ssyncadd.s32 $0xFFFFE000  }
0xf1: {  	_ =	swait.ge [sflag:s11], $0x1200  }
0xf2: {  	[sflag:s11] =	ssyncset.done $0x0  }
0xf3: {  	[sflag:s11] =	ssyncadd.s32 $0xFFFFEE00  }
0xf4: {  	_ =	swait.ge [sflag:s11], $0x2000  }
0xf5: {  	[sflag:s11] =	ssyncset.done $0x0  }
0xf6: {  	[sflag:s11] =	ssyncadd.s32 $0xFFFFE000  }
0xf7: {  	_ =	swait.ge [sflag:s11], $0x1200  }
0xf8: {  	p0 =	seq.s32 s28, $0x17700;
	[sflag:s11] =	ssyncset.done $0x0  }
0xf9: {  	s4 =	simm.s32 @!p0 $0x5;
	[sflag:s11] =	ssyncadd.s32 $0xFFFFEE00  }
0xfa: {  	[hbm4b:s23+s12] =	stream.strided.scatter [tilespmem:s9], [sflag:$0x5], $0x6400, s8, s12, $0x38;
	[tilespmem:$0x1F400] =	vst v63  }
0xfb: {  	_ =	swait.ge @!p0 [sflag:s4], $0x6400  }
0xfc: {  	s2 =	simm.s32 @!p0 $0x80;
	s1 =	sshra.s32 @!p0 s28, $0x2;
	[sflag:s4] =	ssyncset.done @!p0 $0x0  }
0xfd: {  	s5 =	sadd.s32 @!p0 $0x640, s1;
	s6 =	simm.s32 @!p0 $0x6400;
	[sflag:s4] =	ssyncadd.s32 @!p0 $0xFFFF9C00  }
0xfe: {  	[tilespmem:s6], [sflag:$0x1] =	stream.indirect.gather @!p0 [hbm4b:s3+s2], $0x40, s5, s2, $0xb8;
	[tilespmem:$0x1F400] =	vst v63  }
0xff: {  	s4 =	simm.s32 @!p0 $0x48;
	s5 =	sadd.s32 @!p0 $0x6C0, s1;
	s6 =	simm.s32 @!p0 $0x8400  }
0x100: {  	[tilespmem:s6], [sflag:$0x1] =	stream.indirect.gather @!p0 [hbm4b:s3+s4], $0x40, s5, s4, $0xb8;
	[tilespmem:$0x1F400] =	vst v63  }
0x101: {  	s5 =	sadd.s32 @!p0 $0x708, s1;
	s6 =	simm.s32 @!p0 $0x9600  }
0x102: {  	[tilespmem:s6], [sflag:$0x1] =	stream.indirect.gather @!p0 [hbm4b:s3+s2], $0x40, s5, s2, $0xb8;
	[tilespmem:$0x1F400] =	vst v63  }
0x103: {  	s5 =	sadd.s32 @!p0 $0x788, s1;
	s6 =	simm.s32 @!p0 $0xB600  }
0x104: {  	[tilespmem:s6], [sflag:$0x1] =	stream.indirect.gather @!p0 [hbm4b:s3+s4], $0x40, s5, s4, $0xb8;
	[tilespmem:$0x1F400] =	vst v63  }
0x105: {  	_ =	swait.ge [sflag:s13], $0x2000  }
0x106: {  	[sflag:s13] =	ssyncset.done $0x0  }
0x107: {  	[sflag:s13] =	ssyncadd.s32 $0xFFFFE000  }
0x108: {  	_ =	swait.ge [sflag:s13], $0x1200  }
0x109: {  	[sflag:s13] =	ssyncset.done $0x0  }
0x10a: {  	[sflag:s13] =	ssyncadd.s32 $0xFFFFEE00  }
0x10b: {  	_ =	swait.ge [sflag:s13], $0x2000  }
0x10c: {  	[sflag:s13] =	ssyncset.done $0x0  }
0x10d: {  	[sflag:s13] =	ssyncadd.s32 $0xFFFFE000  }
0x10e: {  	_ =	swait.ge [sflag:s13], $0x1200  }
0x10f: {  	[sflag:s13] =	ssyncset.done $0x0  }
0x110: {  	s20 =	sadd.s32 $0x1900, s23;
	s6 =	simm.s32 @!p0 $0x6;
	[sflag:s13] =	ssyncadd.s32 $0xFFFFEE00  }
0x111: {  	[hbm4b:s20+s12] =	stream.strided.scatter [tilespmem:s17], [sflag:$0x6], $0x6400, s8, s12, $0x38;
	[tilespmem:$0x1F400] =	vst v63  }
0x112: {  	_ =	swait.ge @!p0 [sflag:s6], $0x6400  }
0x113: {  	[sflag:s6] =	ssyncset.done @!p0 $0x0  }
0x114: {  	s5 =	sadd.s32 @!p0 $0x7D0, s1;
	[sflag:s6] =	ssyncadd.s32 @!p0 $0xFFFF9C00;
	s6 =	simm.s32 @!p0 $0xC800  }
0x115: {  	[tilespmem:s6], [sflag:$0x2] =	stream.indirect.gather @!p0 [hbm4b:s3+s2], $0x40, s5, s2, $0xb8;
	[tilespmem:$0x1F400] =	vst v63  }
0x116: {  	s5 =	sadd.s32 @!p0 $0x850, s1;
	s6 =	simm.s32 @!p0 $0xE800  }
0x117: {  	[tilespmem:s6], [sflag:$0x2] =	stream.indirect.gather @!p0 [hbm4b:s3+s4], $0x40, s5, s4, $0xb8;
	[tilespmem:$0x1F400] =	vst v63  }
0x118: {  	s5 =	sadd.s32 @!p0 $0x898, s1;
	s6 =	simm.s32 @!p0 $0xFA00  }
0x119: {  	[tilespmem:s6], [sflag:$0x2] =	stream.indirect.gather @!p0 [hbm4b:s3+s2], $0x40, s5, s2, $0xb8;
	[tilespmem:$0x1F400] =	vst v63  }
0x11a: {  	s5 =	sadd.s32 @!p0 $0x918, s1;
	s6 =	simm.s32 @!p0 $0x11A00  }
0x11b: {  	[tilespmem:s6], [sflag:$0x2] =	stream.indirect.gather @!p0 [hbm4b:s3+s4], $0x40, s5, s4, $0xb8;
	[tilespmem:$0x1F400] =	vst v63  }
0x11c: {  	_ =	swait.ge [sflag:s14], $0x2000  }
0x11d: {  	[sflag:s14] =	ssyncset.done $0x0  }
0x11e: {  	[sflag:s14] =	ssyncadd.s32 $0xFFFFE000  }
0x11f: {  	_ =	swait.ge [sflag:s14], $0x1200  }
0x120: {  	[sflag:s14] =	ssyncset.done $0x0  }
0x121: {  	[sflag:s14] =	ssyncadd.s32 $0xFFFFEE00  }
0x122: {  	_ =	swait.ge [sflag:s14], $0x2000  }
0x123: {  	[sflag:s14] =	ssyncset.done $0x0  }
0x124: {  	[sflag:s14] =	ssyncadd.s32 $0xFFFFE000  }
0x125: {  	_ =	swait.ge [sflag:s14], $0x1200  }
0x126: {  	[sflag:s14] =	ssyncset.done $0x0  }
0x127: {  	s24 =	sadd.s32 $0x3200, s23;
	s6 =	simm.s32 @!p0 $0x7;
	[sflag:s14] =	ssyncadd.s32 $0xFFFFEE00  }
0x128: {  	[hbm4b:s24+s12] =	stream.strided.scatter [tilespmem:s25], [sflag:$0x7], $0x6400, s8, s12, $0x38;
	[tilespmem:$0x1F400] =	vst v63  }
0x129: {  	_ =	swait.ge @!p0 [sflag:s6], $0x6400  }
0x12a: {  	[sflag:s6] =	ssyncset.done @!p0 $0x0  }
0x12b: {  	s5 =	sadd.s32 @!p0 $0x960, s1;
	[sflag:s6] =	ssyncadd.s32 @!p0 $0xFFFF9C00;
	s6 =	simm.s32 @!p0 $0x12C00  }
0x12c: {  	[tilespmem:s6], [sflag:$0x3] =	stream.indirect.gather @!p0 [hbm4b:s3+s2], $0x40, s5, s2, $0xb8;
	[tilespmem:$0x1F400] =	vst v63  }
0x12d: {  	s5 =	sadd.s32 @!p0 $0x9E0, s1;
	s6 =	simm.s32 @!p0 $0x14C00  }
0x12e: {  	[tilespmem:s6], [sflag:$0x3] =	stream.indirect.gather @!p0 [hbm4b:s3+s4], $0x40, s5, s4, $0xb8;
	[tilespmem:$0x1F400] =	vst v63  }
0x12f: {  	s5 =	sadd.s32 @!p0 $0xA28, s1;
	s6 =	simm.s32 @!p0 $0x15E00  }
0x130: {  	[tilespmem:s6], [sflag:$0x3] =	stream.indirect.gather @!p0 [hbm4b:s3+s2], $0x40, s5, s2, $0xb8;
	[tilespmem:$0x1F400] =	vst v63  }
0x131: {  	s1 =	sadd.s32 @!p0 $0xAA8, s1;
	s2 =	simm.s32 @!p0 $0x17E00  }
0x132: {  	[tilespmem:s2], [sflag:$0x3] =	stream.indirect.gather @!p0 [hbm4b:s3+s4], $0x40, s1, s4, $0xb8;
	[tilespmem:$0x1F400] =	vst v63  }
0x133: {  	_ =	swait.ge [sflag:s15], $0x2000  }
0x134: {  	[sflag:s15] =	ssyncset.done $0x0  }
0x135: {  	[sflag:s15] =	ssyncadd.s32 $0xFFFFE000  }
0x136: {  	_ =	swait.ge [sflag:s15], $0x1200  }
0x137: {  	[sflag:s15] =	ssyncset.done $0x0  }
0x138: {  	[sflag:s15] =	ssyncadd.s32 $0xFFFFEE00  }
0x139: {  	_ =	swait.ge [sflag:s15], $0x2000  }
0x13a: {  	[sflag:s15] =	ssyncset.done $0x0  }
0x13b: {  	[sflag:s15] =	ssyncadd.s32 $0xFFFFE000  }
0x13c: {  	_ =	swait.ge [sflag:s15], $0x1200  }
0x13d: {  	[sflag:s15] =	ssyncset.done $0x0  }
0x13e: {  	s26 =	simm.s32 $0x5;
	[sflag:s15] =	ssyncadd.s32 $0xFFFFEE00  }
0x13f: {  	[hbm4b:s22+s12] =	stream.strided.scatter [tilespmem:s0], [sflag:$0x8], $0x6400, s8, s12, $0x38;
	[tilespmem:$0x1F400] =	vst v63  }
0x140: {  	_ =	swait.ge [sflag:s26], $0x6400  }
0x141: {  	[sflag:s26] =	ssyncset.done $0x0  }
0x142: {  	s28 =	simm.s32 $0x6;
	[sflag:s26] =	ssyncadd.s32 $0xFFFF9C00  }
0x143: {  	_ =	swait.ge [sflag:s28], $0x6400  }
0x144: {  	[sflag:s28] =	ssyncset.done $0x0  }
0x145: {  	s29 =	simm.s32 $0x7;
	[sflag:s28] =	ssyncadd.s32 $0xFFFF9C00  }
0x146: {  	_ =	swait.ge [sflag:s29], $0x6400  }
0x147: {  	[sflag:s29] =	ssyncset.done $0x0  }
0x148: {  	s30 =	simm.s32 $0x8;
	[sflag:s29] =	ssyncadd.s32 $0xFFFF9C00  }
0x149: {  	_ =	swait.ge [sflag:s30], $0x6400  }
0x14a: {  	s21 =	sadd.s32 $0x1, s21;
	s31 =	rddreg [dreg:$0x6]  }
0x14b: {  	p0 =	sne.s32 s21, s31  }
.Ltmp1:
0x14c: {  	_ = 	snop;
	(pc) =	sbr.rel @p0 .LBB2_1-.Ltmp1, $3  }
0x14d: {  	_ =	sdelay $0x1  }
0x14e: {  	[sflag:s30] =	ssyncset.done $0x0  }
0x14f: {  	[sflag:s30] =	ssyncadd.s32 $0xFFFF9C00  }
0x150: {  	_ =	sfence.sel $0x180000  }
0x151: {  	[bflag:$0x0] =	sbarrier.arrive $0xFFFF  }
0x152: {  	_ =	strace $0x90000047  }
0x153: {  	s0 =	stileid.u32;
	[bflag:$0x2] =	sbarrier.arrive $0xFFFF  }
0x154: {  	p0 =	sne.s32 s0, $0x0;
	s0 =	rddreg [dreg:$0x1]  }
0x155: {  	s0 =	sadd.s32 @!p0 $0x100000, s0  }
0x156: {  	[sflag:s0] =	ssyncadd.tile.s32 @!p0 $0x1;
	_ =	shalt  }
.Lfunc_end2:
_tile_overlayer_lowered:
.L_overlay_start_2:
0x157: {  	(tag) =	ssettag $0x2  }
0x158: {  	s0 =	rddreg [dreg:$0x0];
	s2 =	stileid.u32  }
0x159: {  	s1 =	rddreg [dreg:$0x1];
	p0 =	sne.s32 s2, $0x0  }
0x15a: {  	s3 =	rddreg [dreg:$0x2];
	[bflag:$0x3] =	sbarrier.arrive $0xFFFF;
	s2 =	simm.s32 @!p0 $0x1C09  }
0x15b: {  	[timem:s3], [sflag:s2] =	dma.local @!p0 [hbm:s0], s1  }
0x15c: {  	s0 =	simm.s32 @!p0 $0x9  }
0x15d: {  	_ =	swait.ge @!p0 [sflag:s0], s1  }
0x15e: {  	s1 =	ssub.s32 @!p0 $0x0, s1;
	[sflag:s0] =	ssyncset.done @!p0 $0x0  }
0x15f: {  	[sflag:s0] =	ssyncadd.s32 @!p0 s1  }
0x160: {  	[bflag:$0x3] =	sbarrier.arrive $0xFFFF  }
0x161: {  	_ =	shalt  }

// kernel: sparse-core-data-format-call.cloned.1.call-start
scs
called_computation_lowered:
.L_overlay_start_0:
0x0: {  	s2 =	sld [smem:$0x3FD9]  }
0x1: {  	s3 =	sld [smem:$0x3FFE];
	_ =	sdelay $0x1  }
0x2: {  	s1 =	srdreg.scid  }
0x3: {  	s0 =	sand.u32 $0x1, s1  }
0x4: {  	s18 =	sshll.u32 s0, $0xA;
	s2 =	sadd.s32 s3, s2  }
0x5: {  	s2 =	sadd.s32 s2, s18  }
0x6: {  	[smem:$0x3FC6] =	sst s2  }
0x7: {  	_ = 	snop  }
0x8: {  	s2 =	sld [smem:$0x3FD0];
	(tm) =	ssettm $0x1  }
0x9: {  	s19 =	sld [smem:$0x3FFB];
	_ =	sdelay $0x3  }
0xa: {  	_ =	strace s19  }
0xb: {  	s3 =	sld [smem:$0x3FFC];
	_ =	sdelay $0x3  }
0xc: {  	_ =	strace s3  }
0xd: {  	s3 =	sld [smem:$0x3FFD];
	_ =	sdelay $0x3  }
0xe: {  	_ =	strace s3  }
0xf: {  	_ =	strace $0x8FFFFFFF  }
0x10: {  	s20 =	sld [smem:$0x3FDB];
	_ =	sdelay $0x1  }
0x11: {  	s4 =	simm.s32 $_scs_section_size  }
0x12: {  	s5 =	simm.s32 $_size__tile_overlayer_lowered;
	s6 =	simm.s32 $_tile_overlayer_lowered  }
0x13: {  	s23 =	simm.s32 $0x1BFF;
	s22 =	sshll.u32 s6, $0x1;
	s3 =	sadd.s32 s4, s20  }
0x14: {  	s7 =	simm.s32 $0x0;
	s21 =	sshll.u32 s5, $0x1;
	s5 =	sadd.s32 s22, s3  }
0x15: {  	[timem:s7], [sflag:s23] =	dma.local [hbm:s5], s21  }
0x16: {  	_ =	swait.ge [sflag:s23], s21  }
0x17: {  	s4 =	ssub.s32 $0x0, s21;
	[sflag:s23] =	ssyncset.done $0x0  }
0x18: {  	[sflag:s23] =	ssyncadd.s32 s4;
	_ =	sdelay $0x1  }
0x19: {  	s24 =	simm.s32 $0x1B8B  }
0x1a: {  	_ =	swait.ge [sflag:s24], $0x1  }
0x1b: {  	[sflag:s24] =	ssyncset.done $0x0  }
0x1c: {  	s26 =	simm.s32 $0x1B8E;
	s25 =	sld [smem:$0x3FFE];
	[sflag:s24] =	ssyncadd.s32 $0xFFFFFFFF  }
0x1d: {  	s27 =	simm.s32 $execute0_lowered;
	[smem:$0x3FD2] =	sst s26  }
0x1e: {  	s5 =	sshll.u32 s27, $0x1;
	_ =	strace $0x80000049;
	[dreg:$0x1] =	wrdreg $0xFFFFFFFF  }
0x1f: {  	s28 =	simm.s32 $_size_execute0_lowered;
	s3 =	sadd.s32 s3, s5;
	[dreg:$0x0] =	wrdreg $0x0  }
0x20: {  	s5 =	sshll.u32 s28, $0x1;
	[dreg:$0x2] =	wrdreg s3  }
0x21: {  	[dreg:$0x3] =	wrdreg s5  }
0x22: {  	[dreg:$0x4] =	wrdreg $0xC0  }
0x23: {  	_ =	task [dreg:s7], $0x5FFFF  }
0x24: {  	[dreg:$0x1] =	wrdreg $0xFFFFFFFF  }
0x25: {  	[dreg:$0x0] =	wrdreg $0x60  }
0x26: {  	[dreg:$0x2] =	wrdreg s25  }
0x27: {  	[dreg:$0x3] =	wrdreg s2  }
0x28: {  	[dreg:$0x4] =	wrdreg $0x9  }
0x29: {  	_ =	task.clear_ibuf [dreg:s7], $0x5FFFF;
	_ =	strace $0x90000049  }
0x2a: {  	s29 =	simm.s32 $0x9;
	_ =	strace $0x8000004B  }
0x2b: {  	_ =	swait.ge [sflag:s29], $0x1  }
0x2c: {  	[sflag:s29] =	ssyncadd.s32 $0xFFFFFFFF  }
0x2d: {  	_ =	strace $0x9000004B  }
0x2e: {  	_ =	sfence  }
0x2f: {  	s30 =	sld [smem:$0x0];
	_ =	sdelay $0x2  }
0x30: {  	s31 =	sshll.u32 s1, $0xD;
	s1 =	sshrl.u32 s1, $0x2  }
0x31: {  	s3 =	sand.u32 $0x4000, s31;
	s1 =	sadd.s32 s1, s30  }
0x32: {  	s0 =	sor.u32 s3, s0;
	s1 =	sshll.u32 s1, $0x11  }
0x33: {  	s0 =	sor.u32 s1, s0  }
0x34: {  	s0 =	sadd.s32 $0x8F2B, s0  }
0x35: {  	[sflag:s0] =	ssyncadd.remote.s32 $0x1  }
0x36: {  	_ =	sfence.sel $0xFFFF  }
0x37: {  	[dreg:$0x0] =	wrdreg $0xFFFFFFFF;
	(pc) =	sbr.abs _section_cstart, $3  }
0x38: {  	[dreg:$0x1] =	wrdreg $0xFFFFFFFF  }
0x39: {  	_ =	task.clear_ibuf [dreg:s7], $0x2FFFF;
	_ =	strace $0x9FFFFFFF  }
0x3a: {  	(tm) =	ssettm $0x7FFFFFFF  }
0x3b: {  	_ =	shalt  }
tec
execute0_lowered:
.L_overlay_start_1:
0x0: {  	(tag) =	ssettag $0x1  }
0x1: {  	s0 =	srdreg.scid  }
0x2: {  	s1 =	sshll.u32 s0, $0x4  }
0x3: {  	s0 =	stileid.u32;
	s1 =	sand.u32 $0x10, s1  }
0x4: {  	s1 =	sor.u32 s0, s1  }
0x5: {  	s6 =	rddreg [dreg:$0x0];
	s4 =	simm.s32 $0x1;
	s2 =	sshll.u32 s1, $0x7  }
0x6: {  	s7 =	simm.s32 $0x2;
	s12 =	simm.s32 $0x0;
	s1 =	ssub.s32 $0x1000, s2  }
0x7: {  	s8 =	simm.s32 $0x8000;
	s13 =	simm.s32 $0x0;
	s3 =	sand.u32 $0xF80, s1  }
0x8: {  	s9 =	simm.s32 $0x0;
	s5 =	sshrl.u32 s1, $0xC;
	p0 =	sne.s32 s3, $0x0  }
.Ltmp0:
0x9: {  	s1 =	rddreg [dreg:$0x2];
	s4 =	simm.s32 @!p0 $0x0;
	(pc) =	sbr.rel .LBB1_1-.Ltmp0, $4  }
0xa: {  	s11 =	simm.s32 $0x0;
	s3 =	rddreg [dreg:$0x1];
	s5 =	sadd.s32 s4, s5  }
0xb: {  	_ =	strace $0x8000004A;
	s4 =	simm.s32 $0x1;
	s5 =	smul.u32 $0xC8, s5  }
0xc: {  	s6 =	sadd.s32 $0xDCE00, s6;
	s10 =	smov.u32 s2;
	[sflag:s4] =	ssyncpa.u1 $0x0  }
0xd: {  	p0 =	por $0x0, $0x0;
	[sflag:s7] =	ssyncpa.u1 $0x0;
	s7 =	sor.u32 $0x1, s5  }
.LBB1_4:
0xe: {  	s16 =	sshll.u32 s13, $0x3;
	s17 =	sand.u32 $0x78, s13  }
0xf: {  	s30 =	sand.u32 $0x7E00, s13;
	s12 =	sshll.u32 s12, $0xF;
	s16 =	sand.u32 $0xC00, s16  }
0x10: {  	[tilespmem:s15+$0x810 ss:$0x81] =	vst.msk $0xffff, v2;
	s31 =	sand.u32 $0x7, s13;
	s16 =	sor.u32 s17, s16;
	s17 =	sadd.s32 s3, s30  }
0x11: {  	[tilespmem:s15+$0x1020 ss:$0x81] =	vst.msk $0xffff, v0;
	s13 =	sshll.u32 s31, $0x12;
	s12 =	sadd.s32 s12, s17;
	s16 =	sshrl.u32 s16, $0x3  }
0x12: {  	[tilespmem:s15+$0x0 ss:$0x81] =	vst.msk $0xffff, v1;
	s13 =	sor.u32 $0x400, s13;
	s12 =	sadd.s32 s16, s12  }
0x13: {  	[hbm4b:s12+s13] =	stream.strided.scatter [tilespmem:s14], [sflag:$0x2], $0x2000, s8, s13, $0x20;
	[tilespmem:$0x8080] =	vst v63  }
.LBB1_5:
0x14: {  	s14 =	sadd.s32 $0x1, s9  }
0x15: {  	s12 =	sadd.s32 $0x1000, s10;
	s16 =	smov.u32 s10;
	p2 =	sgt.s32 s14, $0xC7  }
0x16: {  	s16 =	smov.u32 @p2 s12  }
0x17: {  	s14 =	simm.s32 @p2 $0x0;
	p2 =	sgt.s32 s16, $0xFFF  }
0x18: {  	s16 =	smov.u32 @p2 s2;
	p2 =	sne.s32 s11, s7  }
.Ltmp1:
0x19: {  	p1 =	slt.u32 s11, $0x2;
	(pc) =	sbr.rel @!p2 .LBB1_6-.Ltmp1, $4  }
0x1a: {  	s15 =	simm.s32 @!p1 $0x2  }
0x1b: {  	s13 =	smov.u32 s10;
	p0 =	por !p0, !p0;
	_ =	swait.ge @!p1 [sflag:s15], $0x2000  }
0x1c: {  	s12 =	smov.u32 s9;
	[sflag:s15] =	ssyncset.done @!p1 $0x0;
	s9 =	smov.u32 s14  }
0x1d: {  	s11 =	sadd.s32 $0x1, s11;
	[sflag:s15] =	ssyncadd.s32 @!p1 $0xFFFFE000;
	s10 =	smov.u32 s16  }
.LBB1_1:
0x1e: {  	p1 =	sge.u32 s11, s5  }
0x1f: {  	s14 =	sand.u32 @!p1 $0x1FFFFFF, s9  }
0x20: {  	s15 =	smulhi.u32 @!p1 $0x147AE15, s14;
	_ =	sdelay $0x1  }
0x21: {  	s15 =	smul.u32 @!p1 $0xC8, s15  }
0x22: {  	s16 =	sxor.u32 @!p1 $0xFFFFFFFF, s11;
	s17 =	smul.u32 @!p1 $0xC80, s10  }
0x23: {  	s31 =	sadd.s32 $0xFFFFFFFF, s11;
	s16 =	sshll.u32 @!p1 s16, $0xD;
	s14 =	ssub.s32 @!p1 s14, s15  }
0x24: {  	s15 =	sand.u32 @!p1 $0x2000, s16;
	s16 =	sadd.s32 @!p1 s6, s17;
	s14 =	sshll.u32 @!p1 s14, $0x4  }
0x25: {  	s17 =	simm.s32 @!p1 $0x6400;
	s14 =	sadd.s32 @!p1 s14, s16;
	s16 =	simm.s32 @!p1 $0x40  }
0x26: {  	[tilespmem:s15], [sflag:$0x1] =	stream.strided.gather @!p1 [hbm4b:s14+s16], $0x2000, s17, s16, $0x38;
	[tilespmem:$0x8080] =	vst v63  }
0x27: {  	p1 =	sge.u32 s31, s5  }
.Ltmp2:
0x28: {  	_ = 	snop;
	(pc) =	sbr.rel @p1 .LBB1_5-.Ltmp2, $1  }
0x29: {  	_ =	sdelay $0x3  }
0x2a: {  	s14 =	simm.s32 $0x1  }
0x2b: {  	_ =	swait.ge [sflag:s4], $0x2000;
	s14 =	simm.s32 @!p0 $0x0  }
0x2c: {  	[sflag:s4] =	ssyncset.done $0x0;
	s15 =	sshll.u32 s14, $0xD  }
0x2d: {  	[sflag:s4] =	ssyncadd.s32 $0xFFFFE000;
	s18 =	sor.u32 $0x20, s15  }
0x2e: {  	s14 =	smul.u32 $0x8100, s14;
	v3 =	vld [tilespmem:s18+$0x10]  }
0x2f: {  	s30 =	sand.u32 $0x1, s11;
	v2 =	vld [tilespmem:s18+$0xFFFFFFF0]  }
0x30: {  	s15 =	smul.u32 $0x8100, s30;
	s14 =	sshrl.u32 s14, $0x2;
	v0 =	vld [tilespmem:s18+$0x0]  }
0x31: {  	v1 =	vld [tilespmem:s18+$0xFFFFFFE0];
	s16 =	sor.u32 $0x4000, s14  }
0x32: {  	s31 =	sshrl.u32 s15, $0x2;
	s15 =	sadd.s32 $0x0, s16  }
0x33: {  	s17 =	simm.s32 $0x4;
	s18 =	sadd.s32 $0x40, s18;
	s14 =	sor.u32 $0x4000, s31;
	[tilespmem:s15+$0x1830 ss:$0x81] =	vst.msk $0xffff, v3  }
.LBB1_3:
0x34: {  	v3 =	vld [tilespmem:s18+$0x10];
	p1 =	sne.s32 s17, $0x1FC;
	[tilespmem:s15+$0x810 ss:$0x81] =	vst.msk $0xffff, v2;
	s19 =	smov.u32 s17;
	s17 =	sadd.s32 $0x4, s17  }
.Ltmp3:
0x35: {  	v2 =	vld [tilespmem:s18+$0xFFFFFFF0];
	[tilespmem:s15+$0x1020 ss:$0x81] =	vst.msk $0xffff, v0;
	(pc) =	sbr.rel @p1 .LBB1_3-.Ltmp3, $4  }
0x36: {  	v0 =	vld [tilespmem:s18+$0x0];
	[tilespmem:s15+$0x0 ss:$0x81] =	vst.msk $0xffff, v1  }
0x37: {  	s15 =	sshra.s32 s19, $0x2;
	v1 =	vld [tilespmem:s18+$0xFFFFFFE0]  }
0x38: {  	s15 =	sadd.s32 s15, s16  }
0x39: {  	s18 =	sadd.s32 $0x40, s18;
	[tilespmem:s15+$0x1830 ss:$0x81] =	vst.msk $0xffff, v3  }
.Ltmp4:
0x3a: {  	_ = 	snop;
	(pc) =	sbr.rel .LBB1_4-.Ltmp4, $1  }
0x3b: {  	_ =	sdelay $0x3  }
.LBB1_6:
0x3c: {  	_ =	sfence.sel $0x180000  }
0x3d: {  	s2 =	simm.s32 $0x1;
	[bflag:$0x0] =	sbarrier.arrive $0xFFFF  }
0x3e: {  	s31 =	simm.s32 $0x2;
	[sflag:s2] =	ssyncpa.u1 $0x1  }
0x3f: {  	[sflag:s31] =	ssyncpa.u1 $0x1  }
0x40: {  	p0 =	sne.s32 s0, $0x0;
	_ =	strace $0x9000004A  }
0x41: {  	s0 =	sadd.s32 @!p0 $0x100000, s1;
	[bflag:$0x2] =	sbarrier.arrive $0xFFFF  }
0x42: {  	[sflag:s0] =	ssyncadd.tile.s32 @!p0 $0x1;
	_ =	shalt  }
.Lfunc_end1:
_tile_overlayer_lowered:
.L_overlay_start_2:
0x43: {  	(tag) =	ssettag $0x2  }
0x44: {  	s0 =	rddreg [dreg:$0x0];
	s2 =	stileid.u32  }
0x45: {  	s1 =	rddreg [dreg:$0x1];
	p0 =	sne.s32 s2, $0x0  }
0x46: {  	s3 =	rddreg [dreg:$0x2];
	[bflag:$0x3] =	sbarrier.arrive $0xFFFF;
	s2 =	simm.s32 @!p0 $0x1C01  }
0x47: {  	[timem:s3], [sflag:s2] =	dma.local @!p0 [hbm:s0], s1  }
0x48: {  	s0 =	simm.s32 @!p0 $0x1  }
0x49: {  	_ =	swait.ge @!p0 [sflag:s0], s1  }
0x4a: {  	s1 =	ssub.s32 @!p0 $0x0, s1;
	[sflag:s0] =	ssyncset.done @!p0 $0x0  }
0x4b: {  	[sflag:s0] =	ssyncadd.s32 @!p0 s1  }
0x4c: {  	[bflag:$0x3] =	sbarrier.arrive $0xFFFF  }
0x4d: {  	_ =	shalt  }

</sc_bundles>
